<compile_context>
chip_gen: v7x
topology: tpu7x:2x2x1
jax: 0.10.2.dev20260603
libtpu: 0.0.44.dev20260713+nightly
codegen_flags: <defaults>
</compile_context>

<pallas_src>
import functools

import jax
import jax.numpy as jnp
from jax import lax
from jax.experimental import pallas as pl
from jax.experimental.pallas import tpu as pltpu
from jax.experimental.pallas import tpu_sc as plsc

_NC = 2
_NS = 16
_NW = _NC * _NS
_NBUF = 2


@functools.partial(jax.jit, static_argnames=("chunk",))
def _sc_gather(x, idx, *, chunk):
    b = idx.shape[0]
    d = x.shape[1]
    units, rem = divmod(b // 8, _NW)
    n_long = (b - 8 * units * _NW) // 8
    span_l = 8 * (units + 1)
    span_s = 8 * units
    assert b % 8 == 0 and rem == n_long and 0 < n_long <= _NW

    sizes = [chunk] * (span_l // chunk)
    if span_l % chunk:
        sizes.append(span_l % chunk)
    offs = [sum(sizes[:g]) for g in range(len(sizes))]
    n_chunks = len(sizes)
    assert sizes[-1] > 8 and all(s % 8 == 0 for s in sizes)

    mesh = plsc.VectorSubcoreMesh(core_axis_name="c", subcore_axis_name="s")

    @functools.partial(
        pl.kernel,
        mesh=mesh,
        out_type=jax.ShapeDtypeStruct((b, d), jnp.float32),
        scratch_types=[
            pltpu.VMEM((span_l,), jnp.int32),
            pltpu.VMEM((_NBUF, chunk, d), jnp.float32),
        ]
        + [pltpu.SemaphoreType.DMA] * _NBUF,
    )
    def k(table_hbm, idx_hbm, out_hbm, idx_v, bufs, *sems):
        wid = lax.axis_index("s") * _NC + lax.axis_index("c")
        base = span_s * wid + 8 * jnp.minimum(wid, n_long)
        is_long = wid < n_long

        @pl.when(jnp.logical_not(is_long))
        def _():
            idx_v[pl.ds(span_l - 16, 16)] = jnp.zeros((16,), jnp.int32)
            pltpu.sync_copy(idx_hbm.at[pl.ds(base, span_s)],
                            idx_v.at[pl.ds(0, span_s)])

        @pl.when(is_long)
        def _():
            pltpu.sync_copy(idx_hbm.at[pl.ds(base, span_l)], idx_v)

        def start_gather(g):
            return pltpu.async_copy(
                table_hbm.at[idx_v.at[pl.ds(offs[g], sizes[g])]],
                bufs.at[g % _NBUF].at[pl.ds(0, sizes[g])],
                sems[g % _NBUF],
            )

        copies = [None] * _NBUF
        for g in range(min(_NBUF, n_chunks)):
            copies[g] = start_gather(g)
        for g in range(n_chunks):
            cur = g % _NBUF
            copies[cur].wait()
            if g + 1 < n_chunks:
                pltpu.sync_copy(
                    bufs.at[cur].at[pl.ds(0, sizes[g])],
                    out_hbm.at[pl.ds(base + offs[g], sizes[g])],
                )
            else:

                @pl.when(is_long)
                def _():
                    pltpu.sync_copy(
                        bufs.at[cur].at[pl.ds(0, sizes[g])],
                        out_hbm.at[pl.ds(base + offs[g], sizes[g])],
                    )

                @pl.when(jnp.logical_not(is_long))
                def _():
                    pltpu.sync_copy(
                        bufs.at[cur].at[pl.ds(0, sizes[g] - 8)],
                        out_hbm.at[pl.ds(base + offs[g], sizes[g] - 8)],
                    )
            if g + _NBUF < n_chunks:
                copies[cur] = start_gather(g + _NBUF)

    return k(x, idx)


def kernel(x, coarse_idx):
    return _sc_gather(x, coarse_idx.astype(jnp.int32), chunk=240)

# --- scband reference (transcript-rebuilt; emitter-appended) ---
"""Pipeline reference for scband-mesh-pool-84232898609309 (READ-ONLY COPY).

The authoritative reference and input builder live on the scoring server;
editing this copy changes nothing except your own understanding.
"""

import jax, jax.numpy as jnp
import numpy as np

def setup_inputs(seed: int = 0) -> dict:
    key = jax.random.key(seed)
    k1, k2 = jax.random.split(key)
    x = jax.random.normal(k1, (100000, 256), dtype=jnp.float32)
    coarse_idx = jax.random.randint(k2, (25000,), 0, 100000, dtype=jnp.int64)
    return {"x": x, "coarse_idx": coarse_idx}

def reference(x, coarse_idx):
    # MeshPool.forward: select features at coarse vertex positions
    return jnp.take(x, coarse_idx, axis=0)

if __name__ == "__main__":
    import jax
    _d = setup_inputs()
    print(jax.jit(kernel)(*tuple(_d.values())))

</pallas_src>

<mosaic_0001>
#map = affine_map<(d0, d1) -> (0, 0)>
#map1 = affine_map<(d0, d1) -> (0)>
module attributes {stable_mosaic.version = 14 : i64} {
  func.func @k(%arg0: i32, %arg1: i32, %arg2: memref<100000x256xf32, #tpu.memory_space<hbm>>, %arg3: memref<25000xi32, #tpu.memory_space<hbm>>, %arg4: memref<25000x256xf32, #tpu.memory_space<hbm>>, %arg5: memref<784xi32, #tpu.memory_space<vmem>>, %arg6: memref<2x240x256xf32, #tpu.memory_space<vmem>>, %arg7: memref<!tpu.dma_semaphore, #tpu.memory_space<semaphore_mem>>, %arg8: memref<!tpu.dma_semaphore, #tpu.memory_space<semaphore_mem>>) attributes {dimension_semantics = [#tpu.dimension_semantics<core_parallel>, #tpu.dimension_semantics<subcore_parallel>], iteration_bounds = array<i64: 2, 16>, scalar_prefetch = 0 : i64, scratch_operands = 4 : i64, tpu.core_type = #tpu.core_type<sc_vector_subcore>, window_params = [{transform_indices = #map}, {transform_indices = #map1}, {transform_indices = #map}]} {
    %mul3A = arith.constant 2 : i32
    %mul3A_0 = arith.muli %arg1, %mul3A : i32
    %add3A = arith.addi %mul3A_0, %arg0 : i32
    %mul3A_1 = arith.constant 776 : i32
    %mul3A_2 = arith.muli %mul3A_1, %add3A : i32
    %min3A = arith.constant 21 : i32
    %min3A_3 = arith.minsi %add3A, %min3A : i32
    %mul3A_4 = arith.constant 8 : i32
    %mul3A_5 = arith.muli %mul3A_4, %min3A_3 : i32
    %add3A_6 = arith.addi %mul3A_2, %mul3A_5 : i32
    %lt3A = arith.constant 21 : i32
    %lt3A_7 = arith.cmpi slt, %add3A, %lt3A : i32
    %not3A = arith.constant true
    %not3A_8 = arith.xori %lt3A_7, %not3A : i1
    %convert_element_type3A = arith.extui %not3A_8 : i1 to i32
    %cond3A = arith.constant 0 : i32
    %cond3A_9 = arith.cmpi ne, %convert_element_type3A, %cond3A : i32
    scf.if %cond3A_9 {
      %broadcast_in_dim3A = arith.constant 0 : i32
      %broadcast_in_dim3A_131 = vector.broadcast %broadcast_in_dim3A : i32 to vector<16xi32>
      %swap3A = arith.constant 768 : index
      %swap3A_132 = tpu.vector_load %arg5[%swap3A] {strides = array<i32>} : memref<784xi32, #tpu.memory_space<vmem>>, vector<16xi32>,
      %swap3A_133 = vector.shape_cast %swap3A_132 : vector<16xi32> to vector<16xi32>
      %swap3A_134 = vector.shape_cast %broadcast_in_dim3A_131 : vector<16xi32> to vector<16xi32>
      tpu.vector_store %arg5[%swap3A], %swap3A_134 {strides = array<i32>} : memref<784xi32, #tpu.memory_space<vmem>>, vector<16xi32>,
      "tpu.region"() ({
        %run_scoped3A_135 = tpu.sem_alloc : memref<!tpu.dma_semaphore, #tpu.memory_space<semaphore_mem>>
        %dma_start3A_136 = arith.constant 0 : i32
        %dma_start3A_137 = tpu.memref_slice %arg5[%dma_start3A_136] : memref<784xi32, #tpu.memory_space<vmem>> -> memref<776xi32, #tpu.memory_space<vmem>>
        %dma_start3A_138 = tpu.memref_slice %arg3[%add3A_6] : memref<25000xi32, #tpu.memory_space<hbm>> -> memref<776xi32, #tpu.memory_space<hbm>>
        %dma_start3A_139 = arith.constant 0 : i32
        %dma_start3A_140 = tpu.memref_slice %arg5[%dma_start3A_139] : memref<784xi32, #tpu.memory_space<vmem>> -> memref<776xi32, #tpu.memory_space<vmem>>
        %dma_start3A_141 = tpu.memref_slice %arg3[%add3A_6] : memref<25000xi32, #tpu.memory_space<hbm>> -> memref<776xi32, #tpu.memory_space<hbm>>
        tpu.enqueue_dma source(%dma_start3A_141 : memref<776xi32, #tpu.memory_space<hbm>>) target(%dma_start3A_140 : memref<776xi32, #tpu.memory_space<vmem>>) target_semaphore(%run_scoped3A_135 : memref<!tpu.dma_semaphore, #tpu.memory_space<semaphore_mem>>)
        %dma_wait3A_142 = arith.constant 0 : i32
        %dma_wait3A_143 = tpu.memref_slice %arg5[%dma_wait3A_142] : memref<784xi32, #tpu.memory_space<vmem>> -> memref<776xi32, #tpu.memory_space<vmem>>
        %dma_wait3A_144 = tpu.memref_slice %arg3[%add3A_6] : memref<25000xi32, #tpu.memory_space<hbm>> -> memref<776xi32, #tpu.memory_space<hbm>>
        %dma_wait3A_145 = arith.constant 0 : i32
        %dma_wait3A_146 = tpu.memref_slice %arg5[%dma_wait3A_145] : memref<784xi32, #tpu.memory_space<vmem>> -> memref<776xi32, #tpu.memory_space<vmem>>
        %dma_wait3A_147 = tpu.memref_slice %arg3[%add3A_6] : memref<25000xi32, #tpu.memory_space<hbm>> -> memref<776xi32, #tpu.memory_space<hbm>>
        tpu.wait_dma2 semaphore(%run_scoped3A_135 : memref<!tpu.dma_semaphore, #tpu.memory_space<semaphore_mem>>) src(%dma_wait3A_147 : memref<776xi32, #tpu.memory_space<hbm>>) dst(%dma_wait3A_146 : memref<776xi32, #tpu.memory_space<vmem>>)
        tpu.yield
      }) : () -> ()
    } else {
    }
    %convert_element_type3A_10 = arith.extui %lt3A_7 : i1 to i32
    %cond3A_11 = arith.constant 0 : i32
    %cond3A_12 = arith.cmpi ne, %convert_element_type3A_10, %cond3A_11 : i32
    scf.if %cond3A_12 {
      "tpu.region"() ({
        %run_scoped3A_131 = tpu.sem_alloc : memref<!tpu.dma_semaphore, #tpu.memory_space<semaphore_mem>>
        %dma_start3A_132 = tpu.memref_slice %arg3[%add3A_6] : memref<25000xi32, #tpu.memory_space<hbm>> -> memref<784xi32, #tpu.memory_space<hbm>>
        %dma_start3A_133 = tpu.memref_slice %arg3[%add3A_6] : memref<25000xi32, #tpu.memory_space<hbm>> -> memref<784xi32, #tpu.memory_space<hbm>>
        tpu.enqueue_dma source(%dma_start3A_133 : memref<784xi32, #tpu.memory_space<hbm>>) target(%arg5 : memref<784xi32, #tpu.memory_space<vmem>>) target_semaphore(%run_scoped3A_131 : memref<!tpu.dma_semaphore, #tpu.memory_space<semaphore_mem>>)
        %dma_wait3A_134 = tpu.memref_slice %arg3[%add3A_6] : memref<25000xi32, #tpu.memory_space<hbm>> -> memref<784xi32, #tpu.memory_space<hbm>>
        %dma_wait3A_135 = tpu.memref_slice %arg3[%add3A_6] : memref<25000xi32, #tpu.memory_space<hbm>> -> memref<784xi32, #tpu.memory_space<hbm>>
        tpu.wait_dma2 semaphore(%run_scoped3A_131 : memref<!tpu.dma_semaphore, #tpu.memory_space<semaphore_mem>>) src(%dma_wait3A_135 : memref<784xi32, #tpu.memory_space<hbm>>) dst(%arg5 : memref<784xi32, #tpu.memory_space<vmem>>)
        tpu.yield
      }) : () -> ()
    } else {
    }
    %dma_start3A = arith.constant 0 : i32
    %dma_start3A_13 = arith.constant 0 : i32
    %dma_start3A_14 = arith.constant 0 : i32
    %dma_start3A_15 = tpu.memref_slice %arg6[%dma_start3A, %dma_start3A_13, %dma_start3A_14] : memref<2x240x256xf32, #tpu.memory_space<vmem>> -> memref<1x240x256xf32, #tpu.memory_space<vmem>>
    %dma_start3A_16 = tpu.memref_squeeze %dma_start3A_15 : memref<1x240x256xf32, #tpu.memory_space<vmem>> -> memref<240x256xf32, #tpu.memory_space<vmem>>
    %dma_start3A_17 = arith.constant 0 : i32
    %dma_start3A_18 = arith.constant 0 : i32
    %dma_start3A_19 = tpu.memref_slice %dma_start3A_16[%dma_start3A_17, %dma_start3A_18] : memref<240x256xf32, #tpu.memory_space<vmem>> -> memref<240x256xf32, #tpu.memory_space<vmem>>
    %dma_start3A_20 = arith.constant 0 : i32
    %dma_start3A_21 = tpu.memref_slice %arg5[%dma_start3A_20] : memref<784xi32, #tpu.memory_space<vmem>> -> memref<240xi32, #tpu.memory_space<vmem>>
    %dma_start3A_22 = arith.constant 0 : i32
    %dma_start3A_23 = arith.constant 0 : i32
    %dma_start3A_24 = tpu.memref_slice %arg2[%dma_start3A_22, %dma_start3A_23] : memref<100000x256xf32, #tpu.memory_space<hbm>> -> memref<100000x256xf32, #tpu.memory_space<hbm>>
    tpu.enqueue_indirect_dma source(%dma_start3A_24 : memref<100000x256xf32, #tpu.memory_space<hbm>>) target(%dma_start3A_19 : memref<240x256xf32, #tpu.memory_space<vmem>>) offsets(%dma_start3A_21 : memref<240xi32, #tpu.memory_space<vmem>>) semaphore(%arg7 : memref<!tpu.dma_semaphore, #tpu.memory_space<semaphore_mem>>)
    %dma_start3A_25 = arith.constant 1 : i32
    %dma_start3A_26 = arith.constant 0 : i32
    %dma_start3A_27 = arith.constant 0 : i32
    %dma_start3A_28 = tpu.memref_slice %arg6[%dma_start3A_25, %dma_start3A_26, %dma_start3A_27] : memref<2x240x256xf32, #tpu.memory_space<vmem>> -> memref<1x240x256xf32, #tpu.memory_space<vmem>>
    %dma_start3A_29 = tpu.memref_squeeze %dma_start3A_28 : memref<1x240x256xf32, #tpu.memory_space<vmem>> -> memref<240x256xf32, #tpu.memory_space<vmem>>
    %dma_start3A_30 = arith.constant 0 : i32
    %dma_start3A_31 = arith.constant 0 : i32
    %dma_start3A_32 = tpu.memref_slice %dma_start3A_29[%dma_start3A_30, %dma_start3A_31] : memref<240x256xf32, #tpu.memory_space<vmem>> -> memref<240x256xf32, #tpu.memory_space<vmem>>
    %dma_start3A_33 = arith.constant 240 : i32
    %dma_start3A_34 = tpu.memref_slice %arg5[%dma_start3A_33] : memref<784xi32, #tpu.memory_space<vmem>> -> memref<240xi32, #tpu.memory_space<vmem>>
    %dma_start3A_35 = arith.constant 0 : i32
    %dma_start3A_36 = arith.constant 0 : i32
    %dma_start3A_37 = tpu.memref_slice %arg2[%dma_start3A_35, %dma_start3A_36] : memref<100000x256xf32, #tpu.memory_space<hbm>> -> memref<100000x256xf32, #tpu.memory_space<hbm>>
    tpu.enqueue_indirect_dma source(%dma_start3A_37 : memref<100000x256xf32, #tpu.memory_space<hbm>>) target(%dma_start3A_32 : memref<240x256xf32, #tpu.memory_space<vmem>>) offsets(%dma_start3A_34 : memref<240xi32, #tpu.memory_space<vmem>>) semaphore(%arg8 : memref<!tpu.dma_semaphore, #tpu.memory_space<semaphore_mem>>)
    %dma_wait3A = arith.constant 0 : i32
    %dma_wait3A_38 = arith.constant 0 : i32
    %dma_wait3A_39 = arith.constant 0 : i32
    %dma_wait3A_40 = tpu.memref_slice %arg6[%dma_wait3A, %dma_wait3A_38, %dma_wait3A_39] : memref<2x240x256xf32, #tpu.memory_space<vmem>> -> memref<1x240x256xf32, #tpu.memory_space<vmem>>
    %dma_wait3A_41 = tpu.memref_squeeze %dma_wait3A_40 : memref<1x240x256xf32, #tpu.memory_space<vmem>> -> memref<240x256xf32, #tpu.memory_space<vmem>>
    %dma_wait3A_42 = arith.constant 0 : i32
    %dma_wait3A_43 = arith.constant 0 : i32
    %dma_wait3A_44 = tpu.memref_slice %dma_wait3A_41[%dma_wait3A_42, %dma_wait3A_43] : memref<240x256xf32, #tpu.memory_space<vmem>> -> memref<240x256xf32, #tpu.memory_space<vmem>>
    %dma_wait3A_45 = arith.constant 0 : i32
    %dma_wait3A_46 = tpu.memref_slice %arg5[%dma_wait3A_45] : memref<784xi32, #tpu.memory_space<vmem>> -> memref<240xi32, #tpu.memory_space<vmem>>
    %dma_wait3A_47 = arith.constant 0 : i32
    %dma_wait3A_48 = arith.constant 0 : i32
    %dma_wait3A_49 = tpu.memref_slice %arg2[%dma_wait3A_47, %dma_wait3A_48] : memref<100000x256xf32, #tpu.memory_space<hbm>> -> memref<100000x256xf32, #tpu.memory_space<hbm>>
    tpu.wait_indirect_dma semaphore(%arg7 : memref<!tpu.dma_semaphore, #tpu.memory_space<semaphore_mem>>) src(%dma_wait3A_49 : memref<100000x256xf32, #tpu.memory_space<hbm>>) dst(%dma_wait3A_44 : memref<240x256xf32, #tpu.memory_space<vmem>>)
    %add3A_50 = arith.constant 0 : i32
    %add3A_51 = arith.addi %add3A_6, %add3A_50 : i32
    %run_scoped3A = arith.constant 0 : i32
    "tpu.region"() ({
      %run_scoped3A_131 = tpu.sem_alloc : memref<!tpu.dma_semaphore, #tpu.memory_space<semaphore_mem>>
      %dma_start3A_132 = arith.constant 0 : i32
      %dma_start3A_133 = arith.constant 0 : i32
      %dma_start3A_134 = tpu.memref_slice %arg6[%run_scoped3A, %dma_start3A_132, %dma_start3A_133] : memref<2x240x256xf32, #tpu.memory_space<vmem>> -> memref<1x240x256xf32, #tpu.memory_space<vmem>>
      %dma_start3A_135 = tpu.memref_squeeze %dma_start3A_134 : memref<1x240x256xf32, #tpu.memory_space<vmem>> -> memref<240x256xf32, #tpu.memory_space<vmem>>
      %dma_start3A_136 = arith.constant 0 : i32
      %dma_start3A_137 = arith.constant 0 : i32
      %dma_start3A_138 = tpu.memref_slice %dma_start3A_135[%dma_start3A_136, %dma_start3A_137] : memref<240x256xf32, #tpu.memory_space<vmem>> -> memref<240x256xf32, #tpu.memory_space<vmem>>
      %dma_start3A_139 = arith.constant 0 : i32
      %dma_start3A_140 = tpu.memref_slice %arg4[%add3A_51, %dma_start3A_139] : memref<25000x256xf32, #tpu.memory_space<hbm>> -> memref<240x256xf32, #tpu.memory_space<hbm>>
      %dma_start3A_141 = arith.constant 0 : i32
      %dma_start3A_142 = tpu.memref_slice %arg4[%add3A_51, %dma_start3A_141] : memref<25000x256xf32, #tpu.memory_space<hbm>> -> memref<240x256xf32, #tpu.memory_space<hbm>>
      %dma_start3A_143 = arith.constant 0 : i32
      %dma_start3A_144 = arith.constant 0 : i32
      %dma_start3A_145 = tpu.memref_slice %arg6[%run_scoped3A, %dma_start3A_143, %dma_start3A_144] : memref<2x240x256xf32, #tpu.memory_space<vmem>> -> memref<1x240x256xf32, #tpu.memory_space<vmem>>
      %dma_start3A_146 = tpu.memref_squeeze %dma_start3A_145 : memref<1x240x256xf32, #tpu.memory_space<vmem>> -> memref<240x256xf32, #tpu.memory_space<vmem>>
      %dma_start3A_147 = arith.constant 0 : i32
      %dma_start3A_148 = arith.constant 0 : i32
      %dma_start3A_149 = tpu.memref_slice %dma_start3A_146[%dma_start3A_147, %dma_start3A_148] : memref<240x256xf32, #tpu.memory_space<vmem>> -> memref<240x256xf32, #tpu.memory_space<vmem>>
      tpu.enqueue_dma source(%dma_start3A_149 : memref<240x256xf32, #tpu.memory_space<vmem>>) target(%dma_start3A_142 : memref<240x256xf32, #tpu.memory_space<hbm>>) target_semaphore(%run_scoped3A_131 : memref<!tpu.dma_semaphore, #tpu.memory_space<semaphore_mem>>)
      %dma_wait3A_150 = arith.constant 0 : i32
      %dma_wait3A_151 = arith.constant 0 : i32
      %dma_wait3A_152 = tpu.memref_slice %arg6[%run_scoped3A, %dma_wait3A_150, %dma_wait3A_151] : memref<2x240x256xf32, #tpu.memory_space<vmem>> -> memref<1x240x256xf32, #tpu.memory_space<vmem>>
      %dma_wait3A_153 = tpu.memref_squeeze %dma_wait3A_152 : memref<1x240x256xf32, #tpu.memory_space<vmem>> -> memref<240x256xf32, #tpu.memory_space<vmem>>
      %dma_wait3A_154 = arith.constant 0 : i32
      %dma_wait3A_155 = arith.constant 0 : i32
      %dma_wait3A_156 = tpu.memref_slice %dma_wait3A_153[%dma_wait3A_154, %dma_wait3A_155] : memref<240x256xf32, #tpu.memory_space<vmem>> -> memref<240x256xf32, #tpu.memory_space<vmem>>
      %dma_wait3A_157 = arith.constant 0 : i32
      %dma_wait3A_158 = tpu.memref_slice %arg4[%add3A_51, %dma_wait3A_157] : memref<25000x256xf32, #tpu.memory_space<hbm>> -> memref<240x256xf32, #tpu.memory_space<hbm>>
      %dma_wait3A_159 = arith.constant 0 : i32
      %dma_wait3A_160 = tpu.memref_slice %arg4[%add3A_51, %dma_wait3A_159] : memref<25000x256xf32, #tpu.memory_space<hbm>> -> memref<240x256xf32, #tpu.memory_space<hbm>>
      %dma_wait3A_161 = arith.constant 0 : i32
      %dma_wait3A_162 = arith.constant 0 : i32
      %dma_wait3A_163 = tpu.memref_slice %arg6[%run_scoped3A, %dma_wait3A_161, %dma_wait3A_162] : memref<2x240x256xf32, #tpu.memory_space<vmem>> -> memref<1x240x256xf32, #tpu.memory_space<vmem>>
      %dma_wait3A_164 = tpu.memref_squeeze %dma_wait3A_163 : memref<1x240x256xf32, #tpu.memory_space<vmem>> -> memref<240x256xf32, #tpu.memory_space<vmem>>
      %dma_wait3A_165 = arith.constant 0 : i32
      %dma_wait3A_166 = arith.constant 0 : i32
      %dma_wait3A_167 = tpu.memref_slice %dma_wait3A_164[%dma_wait3A_165, %dma_wait3A_166] : memref<240x256xf32, #tpu.memory_space<vmem>> -> memref<240x256xf32, #tpu.memory_space<vmem>>
      tpu.wait_dma2 semaphore(%run_scoped3A_131 : memref<!tpu.dma_semaphore, #tpu.memory_space<semaphore_mem>>) src(%dma_wait3A_167 : memref<240x256xf32, #tpu.memory_space<vmem>>) dst(%dma_wait3A_160 : memref<240x256xf32, #tpu.memory_space<hbm>>)
      tpu.yield
    }) : () -> ()
    %dma_start3A_52 = arith.constant 0 : i32
    %dma_start3A_53 = arith.constant 0 : i32
    %dma_start3A_54 = arith.constant 0 : i32
    %dma_start3A_55 = tpu.memref_slice %arg6[%dma_start3A_52, %dma_start3A_53, %dma_start3A_54] : memref<2x240x256xf32, #tpu.memory_space<vmem>> -> memref<1x240x256xf32, #tpu.memory_space<vmem>>
    %dma_start3A_56 = tpu.memref_squeeze %dma_start3A_55 : memref<1x240x256xf32, #tpu.memory_space<vmem>> -> memref<240x256xf32, #tpu.memory_space<vmem>>
    %dma_start3A_57 = arith.constant 0 : i32
    %dma_start3A_58 = arith.constant 0 : i32
    %dma_start3A_59 = tpu.memref_slice %dma_start3A_56[%dma_start3A_57, %dma_start3A_58] : memref<240x256xf32, #tpu.memory_space<vmem>> -> memref<240x256xf32, #tpu.memory_space<vmem>>
    %dma_start3A_60 = arith.constant 480 : i32
    %dma_start3A_61 = tpu.memref_slice %arg5[%dma_start3A_60] : memref<784xi32, #tpu.memory_space<vmem>> -> memref<240xi32, #tpu.memory_space<vmem>>
    %dma_start3A_62 = arith.constant 0 : i32
    %dma_start3A_63 = arith.constant 0 : i32
    %dma_start3A_64 = tpu.memref_slice %arg2[%dma_start3A_62, %dma_start3A_63] : memref<100000x256xf32, #tpu.memory_space<hbm>> -> memref<100000x256xf32, #tpu.memory_space<hbm>>
    tpu.enqueue_indirect_dma source(%dma_start3A_64 : memref<100000x256xf32, #tpu.memory_space<hbm>>) target(%dma_start3A_59 : memref<240x256xf32, #tpu.memory_space<vmem>>) offsets(%dma_start3A_61 : memref<240xi32, #tpu.memory_space<vmem>>) semaphore(%arg7 : memref<!tpu.dma_semaphore, #tpu.memory_space<semaphore_mem>>)
    %dma_wait3A_65 = arith.constant 1 : i32
    %dma_wait3A_66 = arith.constant 0 : i32
    %dma_wait3A_67 = arith.constant 0 : i32
    %dma_wait3A_68 = tpu.memref_slice %arg6[%dma_wait3A_65, %dma_wait3A_66, %dma_wait3A_67] : memref<2x240x256xf32, #tpu.memory_space<vmem>> -> memref<1x240x256xf32, #tpu.memory_space<vmem>>
    %dma_wait3A_69 = tpu.memref_squeeze %dma_wait3A_68 : memref<1x240x256xf32, #tpu.memory_space<vmem>> -> memref<240x256xf32, #tpu.memory_space<vmem>>
    %dma_wait3A_70 = arith.constant 0 : i32
    %dma_wait3A_71 = arith.constant 0 : i32
    %dma_wait3A_72 = tpu.memref_slice %dma_wait3A_69[%dma_wait3A_70, %dma_wait3A_71] : memref<240x256xf32, #tpu.memory_space<vmem>> -> memref<240x256xf32, #tpu.memory_space<vmem>>
    %dma_wait3A_73 = arith.constant 240 : i32
    %dma_wait3A_74 = tpu.memref_slice %arg5[%dma_wait3A_73] : memref<784xi32, #tpu.memory_space<vmem>> -> memref<240xi32, #tpu.memory_space<vmem>>
    %dma_wait3A_75 = arith.constant 0 : i32
    %dma_wait3A_76 = arith.constant 0 : i32
    %dma_wait3A_77 = tpu.memref_slice %arg2[%dma_wait3A_75, %dma_wait3A_76] : memref<100000x256xf32, #tpu.memory_space<hbm>> -> memref<100000x256xf32, #tpu.memory_space<hbm>>
    tpu.wait_indirect_dma semaphore(%arg8 : memref<!tpu.dma_semaphore, #tpu.memory_space<semaphore_mem>>) src(%dma_wait3A_77 : memref<100000x256xf32, #tpu.memory_space<hbm>>) dst(%dma_wait3A_72 : memref<240x256xf32, #tpu.memory_space<vmem>>)
    %add3A_78 = arith.constant 240 : i32
    %add3A_79 = arith.addi %add3A_6, %add3A_78 : i32
    %run_scoped3A_80 = arith.constant 1 : i32
    "tpu.region"() ({
      %run_scoped3A_131 = tpu.sem_alloc : memref<!tpu.dma_semaphore, #tpu.memory_space<semaphore_mem>>
      %dma_start3A_132 = arith.constant 0 : i32
      %dma_start3A_133 = arith.constant 0 : i32
      %dma_start3A_134 = tpu.memref_slice %arg6[%run_scoped3A_80, %dma_start3A_132, %dma_start3A_133] : memref<2x240x256xf32, #tpu.memory_space<vmem>> -> memref<1x240x256xf32, #tpu.memory_space<vmem>>
      %dma_start3A_135 = tpu.memref_squeeze %dma_start3A_134 : memref<1x240x256xf32, #tpu.memory_space<vmem>> -> memref<240x256xf32, #tpu.memory_space<vmem>>
      %dma_start3A_136 = arith.constant 0 : i32
      %dma_start3A_137 = arith.constant 0 : i32
      %dma_start3A_138 = tpu.memref_slice %dma_start3A_135[%dma_start3A_136, %dma_start3A_137] : memref<240x256xf32, #tpu.memory_space<vmem>> -> memref<240x256xf32, #tpu.memory_space<vmem>>
      %dma_start3A_139 = arith.constant 0 : i32
      %dma_start3A_140 = tpu.memref_slice %arg4[%add3A_79, %dma_start3A_139] : memref<25000x256xf32, #tpu.memory_space<hbm>> -> memref<240x256xf32, #tpu.memory_space<hbm>>
      %dma_start3A_141 = arith.constant 0 : i32
      %dma_start3A_142 = tpu.memref_slice %arg4[%add3A_79, %dma_start3A_141] : memref<25000x256xf32, #tpu.memory_space<hbm>> -> memref<240x256xf32, #tpu.memory_space<hbm>>
      %dma_start3A_143 = arith.constant 0 : i32
      %dma_start3A_144 = arith.constant 0 : i32
      %dma_start3A_145 = tpu.memref_slice %arg6[%run_scoped3A_80, %dma_start3A_143, %dma_start3A_144] : memref<2x240x256xf32, #tpu.memory_space<vmem>> -> memref<1x240x256xf32, #tpu.memory_space<vmem>>
      %dma_start3A_146 = tpu.memref_squeeze %dma_start3A_145 : memref<1x240x256xf32, #tpu.memory_space<vmem>> -> memref<240x256xf32, #tpu.memory_space<vmem>>
      %dma_start3A_147 = arith.constant 0 : i32
      %dma_start3A_148 = arith.constant 0 : i32
      %dma_start3A_149 = tpu.memref_slice %dma_start3A_146[%dma_start3A_147, %dma_start3A_148] : memref<240x256xf32, #tpu.memory_space<vmem>> -> memref<240x256xf32, #tpu.memory_space<vmem>>
      tpu.enqueue_dma source(%dma_start3A_149 : memref<240x256xf32, #tpu.memory_space<vmem>>) target(%dma_start3A_142 : memref<240x256xf32, #tpu.memory_space<hbm>>) target_semaphore(%run_scoped3A_131 : memref<!tpu.dma_semaphore, #tpu.memory_space<semaphore_mem>>)
      %dma_wait3A_150 = arith.constant 0 : i32
      %dma_wait3A_151 = arith.constant 0 : i32
      %dma_wait3A_152 = tpu.memref_slice %arg6[%run_scoped3A_80, %dma_wait3A_150, %dma_wait3A_151] : memref<2x240x256xf32, #tpu.memory_space<vmem>> -> memref<1x240x256xf32, #tpu.memory_space<vmem>>
      %dma_wait3A_153 = tpu.memref_squeeze %dma_wait3A_152 : memref<1x240x256xf32, #tpu.memory_space<vmem>> -> memref<240x256xf32, #tpu.memory_space<vmem>>
      %dma_wait3A_154 = arith.constant 0 : i32
      %dma_wait3A_155 = arith.constant 0 : i32
      %dma_wait3A_156 = tpu.memref_slice %dma_wait3A_153[%dma_wait3A_154, %dma_wait3A_155] : memref<240x256xf32, #tpu.memory_space<vmem>> -> memref<240x256xf32, #tpu.memory_space<vmem>>
      %dma_wait3A_157 = arith.constant 0 : i32
      %dma_wait3A_158 = tpu.memref_slice %arg4[%add3A_79, %dma_wait3A_157] : memref<25000x256xf32, #tpu.memory_space<hbm>> -> memref<240x256xf32, #tpu.memory_space<hbm>>
      %dma_wait3A_159 = arith.constant 0 : i32
      %dma_wait3A_160 = tpu.memref_slice %arg4[%add3A_79, %dma_wait3A_159] : memref<25000x256xf32, #tpu.memory_space<hbm>> -> memref<240x256xf32, #tpu.memory_space<hbm>>
      %dma_wait3A_161 = arith.constant 0 : i32
      %dma_wait3A_162 = arith.constant 0 : i32
      %dma_wait3A_163 = tpu.memref_slice %arg6[%run_scoped3A_80, %dma_wait3A_161, %dma_wait3A_162] : memref<2x240x256xf32, #tpu.memory_space<vmem>> -> memref<1x240x256xf32, #tpu.memory_space<vmem>>
      %dma_wait3A_164 = tpu.memref_squeeze %dma_wait3A_163 : memref<1x240x256xf32, #tpu.memory_space<vmem>> -> memref<240x256xf32, #tpu.memory_space<vmem>>
      %dma_wait3A_165 = arith.constant 0 : i32
      %dma_wait3A_166 = arith.constant 0 : i32
      %dma_wait3A_167 = tpu.memref_slice %dma_wait3A_164[%dma_wait3A_165, %dma_wait3A_166] : memref<240x256xf32, #tpu.memory_space<vmem>> -> memref<240x256xf32, #tpu.memory_space<vmem>>
      tpu.wait_dma2 semaphore(%run_scoped3A_131 : memref<!tpu.dma_semaphore, #tpu.memory_space<semaphore_mem>>) src(%dma_wait3A_167 : memref<240x256xf32, #tpu.memory_space<vmem>>) dst(%dma_wait3A_160 : memref<240x256xf32, #tpu.memory_space<hbm>>)
      tpu.yield
    }) : () -> ()
    %dma_start3A_81 = arith.constant 1 : i32
    %dma_start3A_82 = arith.constant 0 : i32
    %dma_start3A_83 = arith.constant 0 : i32
    %dma_start3A_84 = tpu.memref_slice %arg6[%dma_start3A_81, %dma_start3A_82, %dma_start3A_83] : memref<2x240x256xf32, #tpu.memory_space<vmem>> -> memref<1x240x256xf32, #tpu.memory_space<vmem>>
    %dma_start3A_85 = tpu.memref_squeeze %dma_start3A_84 : memref<1x240x256xf32, #tpu.memory_space<vmem>> -> memref<240x256xf32, #tpu.memory_space<vmem>>
    %dma_start3A_86 = arith.constant 0 : i32
    %dma_start3A_87 = arith.constant 0 : i32
    %dma_start3A_88 = tpu.memref_slice %dma_start3A_85[%dma_start3A_86, %dma_start3A_87] : memref<240x256xf32, #tpu.memory_space<vmem>> -> memref<64x256xf32, #tpu.memory_space<vmem>>
    %dma_start3A_89 = arith.constant 720 : i32
    %dma_start3A_90 = tpu.memref_slice %arg5[%dma_start3A_89] : memref<784xi32, #tpu.memory_space<vmem>> -> memref<64xi32, #tpu.memory_space<vmem>>
    %dma_start3A_91 = arith.constant 0 : i32
    %dma_start3A_92 = arith.constant 0 : i32
    %dma_start3A_93 = tpu.memref_slice %arg2[%dma_start3A_91, %dma_start3A_92] : memref<100000x256xf32, #tpu.memory_space<hbm>> -> memref<100000x256xf32, #tpu.memory_space<hbm>>
    tpu.enqueue_indirect_dma source(%dma_start3A_93 : memref<100000x256xf32, #tpu.memory_space<hbm>>) target(%dma_start3A_88 : memref<64x256xf32, #tpu.memory_space<vmem>>) offsets(%dma_start3A_90 : memref<64xi32, #tpu.memory_space<vmem>>) semaphore(%arg8 : memref<!tpu.dma_semaphore, #tpu.memory_space<semaphore_mem>>)
    %dma_wait3A_94 = arith.constant 0 : i32
    %dma_wait3A_95 = arith.constant 0 : i32
    %dma_wait3A_96 = arith.constant 0 : i32
    %dma_wait3A_97 = tpu.memref_slice %arg6[%dma_wait3A_94, %dma_wait3A_95, %dma_wait3A_96] : memref<2x240x256xf32, #tpu.memory_space<vmem>> -> memref<1x240x256xf32, #tpu.memory_space<vmem>>
    %dma_wait3A_98 = tpu.memref_squeeze %dma_wait3A_97 : memref<1x240x256xf32, #tpu.memory_space<vmem>> -> memref<240x256xf32, #tpu.memory_space<vmem>>
    %dma_wait3A_99 = arith.constant 0 : i32
    %dma_wait3A_100 = arith.constant 0 : i32
    %dma_wait3A_101 = tpu.memref_slice %dma_wait3A_98[%dma_wait3A_99, %dma_wait3A_100] : memref<240x256xf32, #tpu.memory_space<vmem>> -> memref<240x256xf32, #tpu.memory_space<vmem>>
    %dma_wait3A_102 = arith.constant 480 : i32
    %dma_wait3A_103 = tpu.memref_slice %arg5[%dma_wait3A_102] : memref<784xi32, #tpu.memory_space<vmem>> -> memref<240xi32, #tpu.memory_space<vmem>>
    %dma_wait3A_104 = arith.constant 0 : i32
    %dma_wait3A_105 = arith.constant 0 : i32
    %dma_wait3A_106 = tpu.memref_slice %arg2[%dma_wait3A_104, %dma_wait3A_105] : memref<100000x256xf32, #tpu.memory_space<hbm>> -> memref<100000x256xf32, #tpu.memory_space<hbm>>
    tpu.wait_indirect_dma semaphore(%arg7 : memref<!tpu.dma_semaphore, #tpu.memory_space<semaphore_mem>>) src(%dma_wait3A_106 : memref<100000x256xf32, #tpu.memory_space<hbm>>) dst(%dma_wait3A_101 : memref<240x256xf32, #tpu.memory_space<vmem>>)
    %add3A_107 = arith.constant 480 : i32
    %add3A_108 = arith.addi %add3A_6, %add3A_107 : i32
    %run_scoped3A_109 = arith.constant 0 : i32
    "tpu.region"() ({
      %run_scoped3A_131 = tpu.sem_alloc : memref<!tpu.dma_semaphore, #tpu.memory_space<semaphore_mem>>
      %dma_start3A_132 = arith.constant 0 : i32
      %dma_start3A_133 = arith.constant 0 : i32
      %dma_start3A_134 = tpu.memref_slice %arg6[%run_scoped3A_109, %dma_start3A_132, %dma_start3A_133] : memref<2x240x256xf32, #tpu.memory_space<vmem>> -> memref<1x240x256xf32, #tpu.memory_space<vmem>>
      %dma_start3A_135 = tpu.memref_squeeze %dma_start3A_134 : memref<1x240x256xf32, #tpu.memory_space<vmem>> -> memref<240x256xf32, #tpu.memory_space<vmem>>
      %dma_start3A_136 = arith.constant 0 : i32
      %dma_start3A_137 = arith.constant 0 : i32
      %dma_start3A_138 = tpu.memref_slice %dma_start3A_135[%dma_start3A_136, %dma_start3A_137] : memref<240x256xf32, #tpu.memory_space<vmem>> -> memref<240x256xf32, #tpu.memory_space<vmem>>
      %dma_start3A_139 = arith.constant 0 : i32
      %dma_start3A_140 = tpu.memref_slice %arg4[%add3A_108, %dma_start3A_139] : memref<25000x256xf32, #tpu.memory_space<hbm>> -> memref<240x256xf32, #tpu.memory_space<hbm>>
      %dma_start3A_141 = arith.constant 0 : i32
      %dma_start3A_142 = tpu.memref_slice %arg4[%add3A_108, %dma_start3A_141] : memref<25000x256xf32, #tpu.memory_space<hbm>> -> memref<240x256xf32, #tpu.memory_space<hbm>>
      %dma_start3A_143 = arith.constant 0 : i32
      %dma_start3A_144 = arith.constant 0 : i32
      %dma_start3A_145 = tpu.memref_slice %arg6[%run_scoped3A_109, %dma_start3A_143, %dma_start3A_144] : memref<2x240x256xf32, #tpu.memory_space<vmem>> -> memref<1x240x256xf32, #tpu.memory_space<vmem>>
      %dma_start3A_146 = tpu.memref_squeeze %dma_start3A_145 : memref<1x240x256xf32, #tpu.memory_space<vmem>> -> memref<240x256xf32, #tpu.memory_space<vmem>>
      %dma_start3A_147 = arith.constant 0 : i32
      %dma_start3A_148 = arith.constant 0 : i32
      %dma_start3A_149 = tpu.memref_slice %dma_start3A_146[%dma_start3A_147, %dma_start3A_148] : memref<240x256xf32, #tpu.memory_space<vmem>> -> memref<240x256xf32, #tpu.memory_space<vmem>>
      tpu.enqueue_dma source(%dma_start3A_149 : memref<240x256xf32, #tpu.memory_space<vmem>>) target(%dma_start3A_142 : memref<240x256xf32, #tpu.memory_space<hbm>>) target_semaphore(%run_scoped3A_131 : memref<!tpu.dma_semaphore, #tpu.memory_space<semaphore_mem>>)
      %dma_wait3A_150 = arith.constant 0 : i32
      %dma_wait3A_151 = arith.constant 0 : i32
      %dma_wait3A_152 = tpu.memref_slice %arg6[%run_scoped3A_109, %dma_wait3A_150, %dma_wait3A_151] : memref<2x240x256xf32, #tpu.memory_space<vmem>> -> memref<1x240x256xf32, #tpu.memory_space<vmem>>
      %dma_wait3A_153 = tpu.memref_squeeze %dma_wait3A_152 : memref<1x240x256xf32, #tpu.memory_space<vmem>> -> memref<240x256xf32, #tpu.memory_space<vmem>>
      %dma_wait3A_154 = arith.constant 0 : i32
      %dma_wait3A_155 = arith.constant 0 : i32
      %dma_wait3A_156 = tpu.memref_slice %dma_wait3A_153[%dma_wait3A_154, %dma_wait3A_155] : memref<240x256xf32, #tpu.memory_space<vmem>> -> memref<240x256xf32, #tpu.memory_space<vmem>>
      %dma_wait3A_157 = arith.constant 0 : i32
      %dma_wait3A_158 = tpu.memref_slice %arg4[%add3A_108, %dma_wait3A_157] : memref<25000x256xf32, #tpu.memory_space<hbm>> -> memref<240x256xf32, #tpu.memory_space<hbm>>
      %dma_wait3A_159 = arith.constant 0 : i32
      %dma_wait3A_160 = tpu.memref_slice %arg4[%add3A_108, %dma_wait3A_159] : memref<25000x256xf32, #tpu.memory_space<hbm>> -> memref<240x256xf32, #tpu.memory_space<hbm>>
      %dma_wait3A_161 = arith.constant 0 : i32
      %dma_wait3A_162 = arith.constant 0 : i32
      %dma_wait3A_163 = tpu.memref_slice %arg6[%run_scoped3A_109, %dma_wait3A_161, %dma_wait3A_162] : memref<2x240x256xf32, #tpu.memory_space<vmem>> -> memref<1x240x256xf32, #tpu.memory_space<vmem>>
      %dma_wait3A_164 = tpu.memref_squeeze %dma_wait3A_163 : memref<1x240x256xf32, #tpu.memory_space<vmem>> -> memref<240x256xf32, #tpu.memory_space<vmem>>
      %dma_wait3A_165 = arith.constant 0 : i32
      %dma_wait3A_166 = arith.constant 0 : i32
      %dma_wait3A_167 = tpu.memref_slice %dma_wait3A_164[%dma_wait3A_165, %dma_wait3A_166] : memref<240x256xf32, #tpu.memory_space<vmem>> -> memref<240x256xf32, #tpu.memory_space<vmem>>
      tpu.wait_dma2 semaphore(%run_scoped3A_131 : memref<!tpu.dma_semaphore, #tpu.memory_space<semaphore_mem>>) src(%dma_wait3A_167 : memref<240x256xf32, #tpu.memory_space<vmem>>) dst(%dma_wait3A_160 : memref<240x256xf32, #tpu.memory_space<hbm>>)
      tpu.yield
    }) : () -> ()
    %dma_wait3A_110 = arith.constant 1 : i32
    %dma_wait3A_111 = arith.constant 0 : i32
    %dma_wait3A_112 = arith.constant 0 : i32
    %dma_wait3A_113 = tpu.memref_slice %arg6[%dma_wait3A_110, %dma_wait3A_111, %dma_wait3A_112] : memref<2x240x256xf32, #tpu.memory_space<vmem>> -> memref<1x240x256xf32, #tpu.memory_space<vmem>>
    %dma_wait3A_114 = tpu.memref_squeeze %dma_wait3A_113 : memref<1x240x256xf32, #tpu.memory_space<vmem>> -> memref<240x256xf32, #tpu.memory_space<vmem>>
    %dma_wait3A_115 = arith.constant 0 : i32
    %dma_wait3A_116 = arith.constant 0 : i32
    %dma_wait3A_117 = tpu.memref_slice %dma_wait3A_114[%dma_wait3A_115, %dma_wait3A_116] : memref<240x256xf32, #tpu.memory_space<vmem>> -> memref<64x256xf32, #tpu.memory_space<vmem>>
    %dma_wait3A_118 = arith.constant 720 : i32
    %dma_wait3A_119 = tpu.memref_slice %arg5[%dma_wait3A_118] : memref<784xi32, #tpu.memory_space<vmem>> -> memref<64xi32, #tpu.memory_space<vmem>>
    %dma_wait3A_120 = arith.constant 0 : i32
    %dma_wait3A_121 = arith.constant 0 : i32
    %dma_wait3A_122 = tpu.memref_slice %arg2[%dma_wait3A_120, %dma_wait3A_121] : memref<100000x256xf32, #tpu.memory_space<hbm>> -> memref<100000x256xf32, #tpu.memory_space<hbm>>
    tpu.wait_indirect_dma semaphore(%arg8 : memref<!tpu.dma_semaphore, #tpu.memory_space<semaphore_mem>>) src(%dma_wait3A_122 : memref<100000x256xf32, #tpu.memory_space<hbm>>) dst(%dma_wait3A_117 : memref<64x256xf32, #tpu.memory_space<vmem>>)
    %convert_element_type3A_123 = arith.extui %lt3A_7 : i1 to i32
    %cond3A_124 = arith.constant 0 : i32
    %cond3A_125 = arith.cmpi ne, %convert_element_type3A_123, %cond3A_124 : i32
    scf.if %cond3A_125 {
      %add3A_131 = arith.constant 720 : i32
      %add3A_132 = arith.addi %add3A_6, %add3A_131 : i32
      %run_scoped3A_133 = arith.constant 1 : i32
      "tpu.region"() ({
        %run_scoped3A_134 = tpu.sem_alloc : memref<!tpu.dma_semaphore, #tpu.memory_space<semaphore_mem>>
        %dma_start3A_135 = arith.constant 0 : i32
        %dma_start3A_136 = arith.constant 0 : i32
        %dma_start3A_137 = tpu.memref_slice %arg6[%run_scoped3A_133, %dma_start3A_135, %dma_start3A_136] : memref<2x240x256xf32, #tpu.memory_space<vmem>> -> memref<1x240x256xf32, #tpu.memory_space<vmem>>
        %dma_start3A_138 = tpu.memref_squeeze %dma_start3A_137 : memref<1x240x256xf32, #tpu.memory_space<vmem>> -> memref<240x256xf32, #tpu.memory_space<vmem>>
        %dma_start3A_139 = arith.constant 0 : i32
        %dma_start3A_140 = arith.constant 0 : i32
        %dma_start3A_141 = tpu.memref_slice %dma_start3A_138[%dma_start3A_139, %dma_start3A_140] : memref<240x256xf32, #tpu.memory_space<vmem>> -> memref<64x256xf32, #tpu.memory_space<vmem>>
        %dma_start3A_142 = arith.constant 0 : i32
        %dma_start3A_143 = tpu.memref_slice %arg4[%add3A_132, %dma_start3A_142] : memref<25000x256xf32, #tpu.memory_space<hbm>> -> memref<64x256xf32, #tpu.memory_space<hbm>>
        %dma_start3A_144 = arith.constant 0 : i32
        %dma_start3A_145 = tpu.memref_slice %arg4[%add3A_132, %dma_start3A_144] : memref<25000x256xf32, #tpu.memory_space<hbm>> -> memref<64x256xf32, #tpu.memory_space<hbm>>
        %dma_start3A_146 = arith.constant 0 : i32
        %dma_start3A_147 = arith.constant 0 : i32
        %dma_start3A_148 = tpu.memref_slice %arg6[%run_scoped3A_133, %dma_start3A_146, %dma_start3A_147] : memref<2x240x256xf32, #tpu.memory_space<vmem>> -> memref<1x240x256xf32, #tpu.memory_space<vmem>>
        %dma_start3A_149 = tpu.memref_squeeze %dma_start3A_148 : memref<1x240x256xf32, #tpu.memory_space<vmem>> -> memref<240x256xf32, #tpu.memory_space<vmem>>
        %dma_start3A_150 = arith.constant 0 : i32
        %dma_start3A_151 = arith.constant 0 : i32
        %dma_start3A_152 = tpu.memref_slice %dma_start3A_149[%dma_start3A_150, %dma_start3A_151] : memref<240x256xf32, #tpu.memory_space<vmem>> -> memref<64x256xf32, #tpu.memory_space<vmem>>
        tpu.enqueue_dma source(%dma_start3A_152 : memref<64x256xf32, #tpu.memory_space<vmem>>) target(%dma_start3A_145 : memref<64x256xf32, #tpu.memory_space<hbm>>) target_semaphore(%run_scoped3A_134 : memref<!tpu.dma_semaphore, #tpu.memory_space<semaphore_mem>>)
        %dma_wait3A_153 = arith.constant 0 : i32
        %dma_wait3A_154 = arith.constant 0 : i32
        %dma_wait3A_155 = tpu.memref_slice %arg6[%run_scoped3A_133, %dma_wait3A_153, %dma_wait3A_154] : memref<2x240x256xf32, #tpu.memory_space<vmem>> -> memref<1x240x256xf32, #tpu.memory_space<vmem>>
        %dma_wait3A_156 = tpu.memref_squeeze %dma_wait3A_155 : memref<1x240x256xf32, #tpu.memory_space<vmem>> -> memref<240x256xf32, #tpu.memory_space<vmem>>
        %dma_wait3A_157 = arith.constant 0 : i32
        %dma_wait3A_158 = arith.constant 0 : i32
        %dma_wait3A_159 = tpu.memref_slice %dma_wait3A_156[%dma_wait3A_157, %dma_wait3A_158] : memref<240x256xf32, #tpu.memory_space<vmem>> -> memref<64x256xf32, #tpu.memory_space<vmem>>
        %dma_wait3A_160 = arith.constant 0 : i32
        %dma_wait3A_161 = tpu.memref_slice %arg4[%add3A_132, %dma_wait3A_160] : memref<25000x256xf32, #tpu.memory_space<hbm>> -> memref<64x256xf32, #tpu.memory_space<hbm>>
        %dma_wait3A_162 = arith.constant 0 : i32
        %dma_wait3A_163 = tpu.memref_slice %arg4[%add3A_132, %dma_wait3A_162] : memref<25000x256xf32, #tpu.memory_space<hbm>> -> memref<64x256xf32, #tpu.memory_space<hbm>>
        %dma_wait3A_164 = arith.constant 0 : i32
        %dma_wait3A_165 = arith.constant 0 : i32
        %dma_wait3A_166 = tpu.memref_slice %arg6[%run_scoped3A_133, %dma_wait3A_164, %dma_wait3A_165] : memref<2x240x256xf32, #tpu.memory_space<vmem>> -> memref<1x240x256xf32, #tpu.memory_space<vmem>>
        %dma_wait3A_167 = tpu.memref_squeeze %dma_wait3A_166 : memref<1x240x256xf32, #tpu.memory_space<vmem>> -> memref<240x256xf32, #tpu.memory_space<vmem>>
        %dma_wait3A_168 = arith.constant 0 : i32
        %dma_wait3A_169 = arith.constant 0 : i32
        %dma_wait3A_170 = tpu.memref_slice %dma_wait3A_167[%dma_wait3A_168, %dma_wait3A_169] : memref<240x256xf32, #tpu.memory_space<vmem>> -> memref<64x256xf32, #tpu.memory_space<vmem>>
        tpu.wait_dma2 semaphore(%run_scoped3A_134 : memref<!tpu.dma_semaphore, #tpu.memory_space<semaphore_mem>>) src(%dma_wait3A_170 : memref<64x256xf32, #tpu.memory_space<vmem>>) dst(%dma_wait3A_163 : memref<64x256xf32, #tpu.memory_space<hbm>>)
        tpu.yield
      }) : () -> ()
    } else {
    }
    %not3A_126 = arith.constant true
    %not3A_127 = arith.xori %lt3A_7, %not3A_126 : i1
    %convert_element_type3A_128 = arith.extui %not3A_127 : i1 to i32
    %cond3A_129 = arith.constant 0 : i32
    %cond3A_130 = arith.cmpi ne, %convert_element_type3A_128, %cond3A_129 : i32
    scf.if %cond3A_130 {
      %add3A_131 = arith.constant 720 : i32
      %add3A_132 = arith.addi %add3A_6, %add3A_131 : i32
      %run_scoped3A_133 = arith.constant 1 : i32
      "tpu.region"() ({
        %run_scoped3A_134 = tpu.sem_alloc : memref<!tpu.dma_semaphore, #tpu.memory_space<semaphore_mem>>
        %dma_start3A_135 = arith.constant 0 : i32
        %dma_start3A_136 = arith.constant 0 : i32
        %dma_start3A_137 = tpu.memref_slice %arg6[%run_scoped3A_133, %dma_start3A_135, %dma_start3A_136] : memref<2x240x256xf32, #tpu.memory_space<vmem>> -> memref<1x240x256xf32, #tpu.memory_space<vmem>>
        %dma_start3A_138 = tpu.memref_squeeze %dma_start3A_137 : memref<1x240x256xf32, #tpu.memory_space<vmem>> -> memref<240x256xf32, #tpu.memory_space<vmem>>
        %dma_start3A_139 = arith.constant 0 : i32
        %dma_start3A_140 = arith.constant 0 : i32
        %dma_start3A_141 = tpu.memref_slice %dma_start3A_138[%dma_start3A_139, %dma_start3A_140] : memref<240x256xf32, #tpu.memory_space<vmem>> -> memref<56x256xf32, #tpu.memory_space<vmem>>
        %dma_start3A_142 = arith.constant 0 : i32
        %dma_start3A_143 = tpu.memref_slice %arg4[%add3A_132, %dma_start3A_142] : memref<25000x256xf32, #tpu.memory_space<hbm>> -> memref<56x256xf32, #tpu.memory_space<hbm>>
        %dma_start3A_144 = arith.constant 0 : i32
        %dma_start3A_145 = tpu.memref_slice %arg4[%add3A_132, %dma_start3A_144] : memref<25000x256xf32, #tpu.memory_space<hbm>> -> memref<56x256xf32, #tpu.memory_space<hbm>>
        %dma_start3A_146 = arith.constant 0 : i32
        %dma_start3A_147 = arith.constant 0 : i32
        %dma_start3A_148 = tpu.memref_slice %arg6[%run_scoped3A_133, %dma_start3A_146, %dma_start3A_147] : memref<2x240x256xf32, #tpu.memory_space<vmem>> -> memref<1x240x256xf32, #tpu.memory_space<vmem>>
        %dma_start3A_149 = tpu.memref_squeeze %dma_start3A_148 : memref<1x240x256xf32, #tpu.memory_space<vmem>> -> memref<240x256xf32, #tpu.memory_space<vmem>>
        %dma_start3A_150 = arith.constant 0 : i32
        %dma_start3A_151 = arith.constant 0 : i32
        %dma_start3A_152 = tpu.memref_slice %dma_start3A_149[%dma_start3A_150, %dma_start3A_151] : memref<240x256xf32, #tpu.memory_space<vmem>> -> memref<56x256xf32, #tpu.memory_space<vmem>>
        tpu.enqueue_dma source(%dma_start3A_152 : memref<56x256xf32, #tpu.memory_space<vmem>>) target(%dma_start3A_145 : memref<56x256xf32, #tpu.memory_space<hbm>>) target_semaphore(%run_scoped3A_134 : memref<!tpu.dma_semaphore, #tpu.memory_space<semaphore_mem>>)
        %dma_wait3A_153 = arith.constant 0 : i32
        %dma_wait3A_154 = arith.constant 0 : i32
        %dma_wait3A_155 = tpu.memref_slice %arg6[%run_scoped3A_133, %dma_wait3A_153, %dma_wait3A_154] : memref<2x240x256xf32, #tpu.memory_space<vmem>> -> memref<1x240x256xf32, #tpu.memory_space<vmem>>
        %dma_wait3A_156 = tpu.memref_squeeze %dma_wait3A_155 : memref<1x240x256xf32, #tpu.memory_space<vmem>> -> memref<240x256xf32, #tpu.memory_space<vmem>>
        %dma_wait3A_157 = arith.constant 0 : i32
        %dma_wait3A_158 = arith.constant 0 : i32
        %dma_wait3A_159 = tpu.memref_slice %dma_wait3A_156[%dma_wait3A_157, %dma_wait3A_158] : memref<240x256xf32, #tpu.memory_space<vmem>> -> memref<56x256xf32, #tpu.memory_space<vmem>>
        %dma_wait3A_160 = arith.constant 0 : i32
        %dma_wait3A_161 = tpu.memref_slice %arg4[%add3A_132, %dma_wait3A_160] : memref<25000x256xf32, #tpu.memory_space<hbm>> -> memref<56x256xf32, #tpu.memory_space<hbm>>
        %dma_wait3A_162 = arith.constant 0 : i32
        %dma_wait3A_163 = tpu.memref_slice %arg4[%add3A_132, %dma_wait3A_162] : memref<25000x256xf32, #tpu.memory_space<hbm>> -> memref<56x256xf32, #tpu.memory_space<hbm>>
        %dma_wait3A_164 = arith.constant 0 : i32
        %dma_wait3A_165 = arith.constant 0 : i32
        %dma_wait3A_166 = tpu.memref_slice %arg6[%run_scoped3A_133, %dma_wait3A_164, %dma_wait3A_165] : memref<2x240x256xf32, #tpu.memory_space<vmem>> -> memref<1x240x256xf32, #tpu.memory_space<vmem>>
        %dma_wait3A_167 = tpu.memref_squeeze %dma_wait3A_166 : memref<1x240x256xf32, #tpu.memory_space<vmem>> -> memref<240x256xf32, #tpu.memory_space<vmem>>
        %dma_wait3A_168 = arith.constant 0 : i32
        %dma_wait3A_169 = arith.constant 0 : i32
        %dma_wait3A_170 = tpu.memref_slice %dma_wait3A_167[%dma_wait3A_168, %dma_wait3A_169] : memref<240x256xf32, #tpu.memory_space<vmem>> -> memref<56x256xf32, #tpu.memory_space<vmem>>
        tpu.wait_dma2 semaphore(%run_scoped3A_134 : memref<!tpu.dma_semaphore, #tpu.memory_space<semaphore_mem>>) src(%dma_wait3A_170 : memref<56x256xf32, #tpu.memory_space<vmem>>) dst(%dma_wait3A_163 : memref<56x256xf32, #tpu.memory_space<hbm>>)
        tpu.yield
      }) : () -> ()
    } else {
    }
    return
  }
}

</mosaic_0001>

<sc_bundles>
// kernel: _sc_gather.3.cloned.1.call-start
scs
__scs_entry_jumppad:
0x0: {  	(pc) =	sbr.rel $0x88, $3  }
0x1: {  	(tag) =	ssettag $0x0;
	lr =	simm.s32 $0x1  }
0x2: {  	[smem:$0x3F9F] =	sst lr;
	_ =	strace $0xD0000000  }
0x3: {  	_ = 	snop  }
0x4: {  	_ = 	snop  }
0x5: {  	_ = 	snop  }
0x6: {  	_ = 	snop  }
0x7: {  	_ = 	snop  }
__scs_overlays_trampoline_lowered:
0x8: {  	[smem:$0x3FAE] =	sst s0  }
0x9: {  	[smem:$0x3FAF] =	sst s1  }
0xa: {  	[smem:$0x3FB0] =	sst s2  }
0xb: {  	[smem:$0x3FB1] =	sst s3  }
0xc: {  	[smem:$0x3FB2] =	sst s4  }
0xd: {  	[smem:$0x3FB3] =	sst s5  }
0xe: {  	[smem:$0x3FB4] =	sst s6  }
0xf: {  	[smem:$0x3FB5] =	sst s7  }
0x10: {  	[smem:$0x3FB6] =	sst s8  }
0x11: {  	[smem:$0x3FB7] =	sst s9;
	s0 =	simm.s32 @!p0 $0x0  }
0x12: {  	s1 =	sld [smem:$0x3F9D];
	s0 =	simm.s32 @p0 $0x1  }
0x13: {  	[smem:$0x3FB8] =	sst s0;
	s0 =	simm.s32 @!p1 $0x0  }
0x14: {  	s2 =	sld [smem:$0x3F9C];
	s0 =	simm.s32 @p1 $0x1  }
0x15: {  	[smem:$0x3FB9] =	sst s0;
	s0 =	simm.s32 @!p2 $0x0  }
0x16: {  	s3 =	sld [smem:$0x3FDB];
	s0 =	simm.s32 @p2 $0x1  }
0x17: {  	s4 =	simm.s32 $0x1BF5;
	[smem:$0x3FBB] =	sst s0  }
0x18: {  	s0 =	sld [smem:$0x3F9E];
	_ =	swait.ge [sflag:s4], $0x0  }
0x19: {  	s7 =	sld [smem:$0x3F9F]  }
0x1a: {  	s8 =	sadd.s32 $0xFFFFE003, lr  }
0x1b: {  	s9 =	sadd.s32 $0xFFFFFEF7, lr;
	s5 =	simm.s32 $0xFFFFFFFF;
	p2 =	slt.u32 s8, $0xFFFFF086  }
0x1c: {  	p1 =	slt.u32 s9, $0xF7A;
	s5 =	simm.s32 @!p2 $0x0  }
0x1d: {  	s5 =	simm.s32 @p1 $0x1;
	p0 =	seq.s32 s7, s2  }
0x1e: {  	s7 =	smul.u32 @!p0 $0xF7A, s2;
	p2 =	seq.s32 @!p0 s5, $0x0  }
0x1f: {  	s9 =	smul.u32 $0xF7A, s1;
	s8 =	simm.s32 @!p0 $0x1BF5;
	p2 =	por !p2, p0  }
0x20: {  	[sflag:s8] =	ssyncset.s32 @!p0 $0xFFFFF086;
	s6 =	sadd.s32 @!p0 s3, s7;
	s7 =	simm.s32 @!p0 $0x108  }
0x21: {  	s3 =	sadd.s32 s3, s9;
	s6 =	sadd.s32 @!p0 $0x88, s6;
	s7 =	simm.s32 @p2 $0x1082  }
0x22: {  	[simem:s7], [sflag:s8] =	dma.local @!p0 [hbm:s6], $0xF7A  }
0x23: {  	s9 =	sor.u32 $0xD0000000, s2;
	s6 =	simm.s32 $0x108;
	_ =	swait.ge @!p0 [sflag:s8], $0x0  }
0x24: {  	s3 =	sadd.s32 $0x88, s3;
	s6 =	simm.s32 @!p1 $0x1082;
	[sflag:s4] =	ssyncset.s32 $0xFFFFF086  }
0x25: {  	[simem:s6], [sflag:s4] =	dma.local [hbm:s3], $0xF7A  }
0x26: {  	[smem:$0x3F9F] =	sst s1;
	(tag) =	ssettag s2;
	_ =	strace s9  }
0x27: {  	s1 =	sld [smem:$0x3FAF]  }
0x28: {  	s2 =	sld [smem:$0x3FB0]  }
0x29: {  	s4 =	sld [smem:$0x3FB2]  }
0x2a: {  	p0 =	seq.s32 s5, $0x0;
	s5 =	sld [smem:$0x3FB3]  }
0x2b: {  	s6 =	sld [smem:$0x3FB4]  }
0x2c: {  	s7 =	sld [smem:$0x3FB5]  }
0x2d: {  	s3 =	simm.s32 $0x108;
	s8 =	sld [smem:$0x3FB6]  }
0x2e: {  	s3 =	simm.s32 @!p0 $0x1082;
	s9 =	sld [smem:$0x3FB7]  }
0x2f: {  	lr =	sadd.s32 s0, s3;
	s0 =	sld [smem:$0x3FAE]  }
0x30: {  	s3 =	sld [smem:$0x3FB1]  }
0x31: {  	[smem:$0x3FBA] =	sst s10  }
0x32: {  	s10 =	sld [smem:$0x3FB8];
	_ =	sdelay $0x3  }
0x33: {  	p0 =	seq.s32 s10, $0x1;
	s10 =	sld [smem:$0x3FBA];
	_ =	sdelay $0x3  }
0x34: {  	[smem:$0x3FBA] =	sst s10  }
0x35: {  	s10 =	sld [smem:$0x3FB9];
	_ =	sdelay $0x3  }
0x36: {  	p1 =	seq.s32 s10, $0x1;
	s10 =	sld [smem:$0x3FBA];
	_ =	sdelay $0x3  }
0x37: {  	[smem:$0x3FBA] =	sst s10  }
0x38: {  	s10 =	sld [smem:$0x3FBB]  }
0x39: {  	_ = 	snop;
	(pc) =	sbr.ind lr, $3  }
0x3a: {  	_ = 	snop  }
0x3b: {  	_ = 	snop  }
0x3c: {  	p2 =	seq.s32 s10, $0x1;
	s10 =	sld [smem:$0x3FBA]  }
0x3d: {  	_ =	shalt  }
0x3e: {  	_ =	shalt  }
0x3f: {  	_ =	shalt  }
0x40: {  	_ =	shalt  }
0x41: {  	_ =	shalt  }
0x42: {  	_ =	shalt  }
0x43: {  	_ =	shalt  }
0x44: {  	_ =	shalt  }
0x45: {  	_ =	shalt  }
0x46: {  	_ =	shalt  }
0x47: {  	_ =	shalt  }
0x48: {  	_ =	shalt  }
0x49: {  	_ =	shalt  }
0x4a: {  	_ =	shalt  }
0x4b: {  	_ =	shalt  }
0x4c: {  	_ =	shalt  }
0x4d: {  	_ =	shalt  }
0x4e: {  	_ =	shalt  }
0x4f: {  	_ =	shalt  }
0x50: {  	_ =	shalt  }
0x51: {  	_ =	shalt  }
0x52: {  	_ =	shalt  }
0x53: {  	_ =	shalt  }
0x54: {  	_ =	shalt  }
0x55: {  	_ =	shalt  }
0x56: {  	_ =	shalt  }
0x57: {  	_ =	shalt  }
0x58: {  	_ =	shalt  }
0x59: {  	_ =	shalt  }
0x5a: {  	_ =	shalt  }
0x5b: {  	_ =	shalt  }
0x5c: {  	_ =	shalt  }
0x5d: {  	_ =	shalt  }
0x5e: {  	_ =	shalt  }
0x5f: {  	_ =	shalt  }
0x60: {  	_ =	shalt  }
0x61: {  	_ =	shalt  }
0x62: {  	_ =	shalt  }
0x63: {  	_ =	shalt  }
0x64: {  	_ =	shalt  }
0x65: {  	_ =	shalt  }
0x66: {  	_ =	shalt  }
0x67: {  	_ =	shalt  }
0x68: {  	_ =	shalt  }
0x69: {  	_ =	shalt  }
0x6a: {  	_ =	shalt  }
0x6b: {  	_ =	shalt  }
0x6c: {  	_ =	shalt  }
0x6d: {  	_ =	shalt  }
0x6e: {  	_ =	shalt  }
0x6f: {  	_ =	shalt  }
0x70: {  	_ =	shalt  }
0x71: {  	_ =	shalt  }
0x72: {  	_ =	shalt  }
0x73: {  	_ =	shalt  }
0x74: {  	_ =	shalt  }
0x75: {  	_ =	shalt  }
0x76: {  	_ =	shalt  }
0x77: {  	_ =	shalt  }
0x78: {  	_ =	shalt  }
0x79: {  	_ =	shalt  }
0x7a: {  	_ =	shalt  }
0x7b: {  	_ =	shalt  }
0x7c: {  	_ =	shalt  }
0x7d: {  	_ =	shalt  }
0x7e: {  	_ =	shalt  }
0x7f: {  	_ =	shalt  }
0x80: {  	_ =	shalt  }
0x81: {  	_ =	shalt  }
0x82: {  	_ =	shalt  }
0x83: {  	_ =	shalt  }
0x84: {  	_ =	shalt  }
0x85: {  	_ =	shalt  }
0x86: {  	_ =	shalt  }
0x87: {  	_ =	shalt  }
.Lfunc_end0:
.L_simem_size_0:
called_computation_lowered:
.L_overlay_start_0:
0x88: {  	s2 =	sld [smem:$0x3FD9]  }
0x89: {  	s3 =	sld [smem:$0x3FFE];
	_ =	sdelay $0x1  }
0x8a: {  	s1 =	srdreg.scid  }
0x8b: {  	s0 =	sand.u32 $0x1, s1  }
0x8c: {  	s18 =	sshll.u32 s0, $0xA;
	s2 =	sadd.s32 s3, s2  }
0x8d: {  	s2 =	sadd.s32 s2, s18  }
0x8e: {  	[smem:$0x3FC6] =	sst s2  }
0x8f: {  	_ = 	snop  }
0x90: {  	s2 =	sld [smem:$0x3FC9]  }
0x91: {  	s19 =	sld [smem:$0x3FC8]  }
0x92: {  	s4 =	sld [smem:$0x3FD0];
	(tm) =	ssettm $0x1  }
0x93: {  	s5 =	sld [smem:$0x3FFB];
	_ =	sdelay $0x3  }
0x94: {  	_ =	strace s5  }
0x95: {  	s5 =	sld [smem:$0x3FFC];
	_ =	sdelay $0x3  }
0x96: {  	_ =	strace s5  }
0x97: {  	s5 =	sld [smem:$0x3FFD];
	_ =	sdelay $0x3  }
0x98: {  	_ =	strace s5  }
0x99: {  	_ =	strace $0x8FFFFFFF  }
0x9a: {  	s20 =	sld [smem:$0x3FDB];
	_ =	sdelay $0x1  }
0x9b: {  	s6 =	simm.s32 $_scs_section_size  }
0x9c: {  	s7 =	simm.s32 $_size__tile_overlayer_lowered;
	s8 =	simm.s32 $_tile_overlayer_lowered  }
0x9d: {  	s23 =	simm.s32 $0x1BFF;
	s22 =	sshll.u32 s8, $0x1;
	s5 =	sadd.s32 s6, s20  }
0x9e: {  	s9 =	simm.s32 $0x0;
	s21 =	sshll.u32 s7, $0x1;
	s7 =	sadd.s32 s22, s5  }
0x9f: {  	[timem:s9], [sflag:s23] =	dma.local [hbm:s7], s21  }
0xa0: {  	_ =	swait.ge [sflag:s23], s21  }
0xa1: {  	s6 =	ssub.s32 $0x0, s21;
	[sflag:s23] =	ssyncset.done $0x0  }
0xa2: {  	[sflag:s23] =	ssyncadd.s32 s6;
	_ =	sdelay $0x1  }
0xa3: {  	s24 =	simm.s32 $0x1B8B  }
0xa4: {  	_ =	swait.ge [sflag:s24], $0x1  }
0xa5: {  	[sflag:s24] =	ssyncset.done $0x0  }
0xa6: {  	s25 =	simm.s32 $0x1B8E;
	[sflag:s24] =	ssyncadd.s32 $0xFFFFFFFF  }
0xa7: {  	s26 =	simm.s32 $execute0_lowered;
	[smem:$0x3FD2] =	sst s25  }
0xa8: {  	s6 =	sshll.u32 s26, $0x1;
	_ =	strace $0x80000046;
	[dreg:$0x1] =	wrdreg $0xFFFFFFFF  }
0xa9: {  	s28 =	simm.s32 $_size_execute0_lowered;
	s5 =	sadd.s32 s5, s6;
	[dreg:$0x0] =	wrdreg $0x0  }
0xaa: {  	s6 =	sshll.u32 s28, $0x1;
	[dreg:$0x2] =	wrdreg s5  }
0xab: {  	[dreg:$0x3] =	wrdreg s6  }
0xac: {  	[dreg:$0x4] =	wrdreg $0xC0  }
0xad: {  	_ =	task [dreg:s9], $0x5FFFF  }
0xae: {  	[dreg:$0x1] =	wrdreg $0xFFFFFFFF  }
0xaf: {  	[dreg:$0x0] =	wrdreg $0x60  }
0xb0: {  	[dreg:$0x2] =	wrdreg s2  }
0xb1: {  	[dreg:$0x3] =	wrdreg s19  }
0xb2: {  	[dreg:$0x4] =	wrdreg s4  }
0xb3: {  	[dreg:$0x5] =	wrdreg $0x9  }
0xb4: {  	_ =	task.clear_ibuf [dreg:s9], $0x6FFFF;
	_ =	strace $0x90000046  }
0xb5: {  	s29 =	simm.s32 $0x9;
	_ =	strace $0x80000048  }
0xb6: {  	_ =	swait.ge [sflag:s29], $0x1  }
0xb7: {  	[sflag:s29] =	ssyncadd.s32 $0xFFFFFFFF  }
0xb8: {  	_ =	strace $0x90000048  }
0xb9: {  	_ =	sfence  }
0xba: {  	s30 =	sld [smem:$0x0];
	_ =	sdelay $0x2  }
0xbb: {  	s31 =	sshll.u32 s1, $0xD;
	s1 =	sshrl.u32 s1, $0x2  }
0xbc: {  	s3 =	sand.u32 $0x4000, s31;
	s1 =	sadd.s32 s1, s30  }
0xbd: {  	s0 =	sor.u32 s3, s0;
	s1 =	sshll.u32 s1, $0x11  }
0xbe: {  	s0 =	sor.u32 s1, s0  }
0xbf: {  	s0 =	sadd.s32 $0x8F2B, s0  }
0xc0: {  	[sflag:s0] =	ssyncadd.remote.s32 $0x1  }
0xc1: {  	_ =	sfence.sel $0xFFFF  }
0xc2: {  	[dreg:$0x0] =	wrdreg $0xFFFFFFFF;
	(pc) =	sbr.abs _section_cstart, $3  }
0xc3: {  	[dreg:$0x1] =	wrdreg $0xFFFFFFFF  }
0xc4: {  	_ =	task.clear_ibuf [dreg:s9], $0x2FFFF;
	_ =	strace $0x9FFFFFFF  }
0xc5: {  	(tm) =	ssettm $0x7FFFFFFF  }
tec
execute0_lowered:
.L_overlay_start_1:
0x0: {  	(tag) =	ssettag $0x1  }
0x1: {  	s0 =	srdreg.scid;
	s1 =	stileid.u32  }
0x2: {  	s0 =	sand.u32 $0x1, s0;
	s1 =	sshll.u32 s1, $0x1  }
0x3: {  	s2 =	sor.u32 s0, s1  }
0x4: {  	s5 =	rddreg [dreg:$0x1];
	s3 =	smul.u32 $0x308, s2;
	s4 =	smin.u32 s2, $0x15  }
0x5: {  	s6 =	rddreg [dreg:$0x2];
	s4 =	sshll.u32 s4, $0x3  }
0x6: {  	s1 =	rddreg [dreg:$0x0];
	s4 =	sadd.s32 s3, s4;
	s3 =	simm.s32 $0x0  }
0x7: {  	s25 =	simm.s32 $0x13380;
	[smem:$0x7FF] =	sst s3  }
0x8: {  	s26 =	simm.s32 $0x13B80;
	_ =	strace $0x80000047;
	[dreg:$0x6] =	wrdreg s25  }
0x9: {  	s9 =	simm.s32 $0x15380;
	[dreg:$0x7] =	wrdreg s26  }
0xa: {  	s10 =	simm.s32 $0x15B80;
	s11 =	simm.s32 $0x16380;
	[dreg:$0xa] =	wrdreg s9  }
0xb: {  	s12 =	simm.s32 $0x16B80;
	s13 =	simm.s32 $0x17380;
	[dreg:$0xb] =	wrdreg s10  }
0xc: {  	s14 =	simm.s32 $0x17B80;
	s15 =	simm.s32 $0x18380;
	[dreg:$0xc] =	wrdreg s11  }
0xd: {  	s16 =	simm.s32 $0x18B80;
	s17 =	simm.s32 $0x19380;
	[dreg:$0xd] =	wrdreg s12  }
0xe: {  	s18 =	simm.s32 $0x19B80;
	s19 =	simm.s32 $0x1A380;
	[dreg:$0xe] =	wrdreg s13  }
0xf: {  	s20 =	simm.s32 $0x1AB80;
	s21 =	simm.s32 $0x1B380;
	[dreg:$0xf] =	wrdreg s14  }
0x10: {  	s22 =	simm.s32 $0x1BB80;
	s28 =	simm.s32 $0x1380;
	[dreg:$0x10] =	wrdreg s15  }
0x11: {  	s29 =	simm.s32 $0x1B80;
	s30 =	simm.s32 $0x2380;
	[dreg:$0x11] =	wrdreg s16  }
0x12: {  	s31 =	simm.s32 $0x2B80;
	s0 =	ssub.s32 $0x2, s0;
	[dreg:$0x12] =	wrdreg s17  }
0x13: {  	s23 =	sshrl.u32 s0, $0x1;
	p0 =	slt.u32 s2, $0x15;
	[dreg:$0x13] =	wrdreg s18  }
0x14: {  	p1 =	sgt.u32 s2, $0x14;
	s2 =	simm.s32 $0x380;
	[dreg:$0x14] =	wrdreg s19  }
0x15: {  	s0 =	ssub.s32 s0, s23;
	s23 =	simm.s32 $0x1C380;
	[dreg:$0x15] =	wrdreg s20  }
0x16: {  	s7 =	sshll.u32 s4, $0x5;
	s4 =	sshrl.u32 s4, $0x3;
	[dreg:$0x16] =	wrdreg s21  }
0x17: {  	s8 =	sadd.s32 s6, s7;
	s4 =	sadd.s32 s5, s4;
	[dreg:$0x17] =	wrdreg s22  }
0x18: {  	[dreg:$0x18] =	wrdreg s23;
	s25 =	simm.s32 $0x1D380;
	s26 =	simm.s32 $0x1DB80  }
0x19: {  	s22 =	simm.s32 $0x1;
	s23 =	simm.s32 $0x3;
	s9 =	simm.s32 $0x4380  }
0x1a: {  	s10 =	simm.s32 $0x4B80;
	s11 =	simm.s32 $0x5380;
	s12 =	simm.s32 $0x5B80  }
0x1b: {  	s13 =	simm.s32 $0x6380;
	s15 =	simm.s32 $0x6B80;
	[dreg:$0x1d] =	wrdreg s4  }
0x1c: {  	s16 =	simm.s32 $0x7380;
	s17 =	simm.s32 $0x7B80;
	[dreg:$0x1c] =	wrdreg s8  }
0x1d: {  	s18 =	simm.s32 $0x8380;
	s19 =	simm.s32 $0x8B80;
	[dreg:$0x1a] =	wrdreg s25  }
0x1e: {  	s20 =	simm.s32 $0x9380;
	s6 =	sadd.s32 $0x1E00, s8;
	[dreg:$0x1b] =	wrdreg s26  }
0x1f: {  	s21 =	simm.s32 $0x9B80;
	s24 =	sadd.s32 $0x3C00, s8;
	[dreg:$0x4] =	wrdreg s6  }
0x20: {  	s14 =	simm.s32 $0xA380;
	s7 =	sadd.s32 $0x5A00, s8;
	[dreg:$0x5] =	wrdreg s24  }
0x21: {  	s8 =	simm.s32 $0x14B80;
	s4 =	simm.s32 $0x2;
	[dreg:$0x1e] =	wrdreg s7  }
0x22: {  	v2 =	vlaneseq.u32;
	s26 =	simm.s32 $0xB80;
	s6 =	simm.s32 $0x14380;
	[dreg:$0x9] =	wrdreg s8  }
0x23: {  	vm0 =	vmmov $0xffff;
	v1 =	vshrl.u32 v2, $0x3;
	s7 =	smax.u32 s0, $0x1;
	s24 =	simm.s32 $0x1CB80;
	[dreg:$0x8] =	wrdreg s6  }
0x24: {  	v0 =	vand.u32 $0x7, v2;
	v2 =	vor.u32 $0x8, v2;
	v1 =	vmul.u32 $0x8, v1;
	s8 =	simm.s32 $0xBB80;
	[dreg:$0x19] =	wrdreg s24;
	s6 =	simm.s32 $0xB380  }
.LBB2_1:
0x25: {  	s24 =	simm.s32 @p0 $0x0;
	s0 =	rddreg [dreg:$0x1d]  }
0x26: {  	[tilespmem:s24], [sflag:$0x3] =	stream.linear.gather @p0 [hbm4b:s0+s24], $0x310, $0x38;
	[tilespmem:$0x1E380] =	vst v63  }
0x27: {  	s24 =	simm.s32 @p0 $0x3  }
0x28: {  	_ =	swait.ge @p0 [sflag:s24], $0x310  }
0x29: {  	[sflag:s24] =	ssyncset.done @p0 $0x0  }
0x2a: {  	v3 =	vimm.s32 @!p0 $0x0;
	[sflag:s24] =	ssyncadd.s32 @p0 $0xFFFFFCF0  }
0x2b: {  	s24 =	simm.s32 @!p0 $0x0;
	[tilespmem:$0x300] =	vst @!p0 v3  }
0x2c: {  	[tilespmem:s24], [sflag:$0x3] =	stream.linear.gather @!p0 [hbm4b:s0+s24], $0x308, $0x38;
	[tilespmem:$0x1E380] =	vst v63  }
0x2d: {  	s24 =	simm.s32 @!p0 $0x3  }
0x2e: {  	_ =	swait.ge @!p0 [sflag:s24], $0x308  }
0x2f: {  	[sflag:s24] =	ssyncset.done @!p0 $0x0  }
0x30: {  	[sflag:s24] =	ssyncadd.s32 @!p0 $0xFFFFFCF8  }
0x31: {  	v3 =	vld [tilespmem:$0x0];
	_ =	sdelay $0x4  }
0x32: {  	v4 =	vshll.u32 v3, $0x1  }
0x33: {  	v3 =	vand.u32 $0x7, v3;
	v4 =	vand.u32 $0xFFFFFFF0, v4  }
0x34: {  	v3 =	vor.u32 v3, v4  }
0x35: {  	v4 =	vperm.xlane v3, v0;
	_ =	sdelay $0x1  }
0x36: {  	v3 =	vperm.xlane v3, v2;
	v4 =	vadd.s32 v1, v4;
	_ =	sdelay $0x1  }
0x37: {  	v3 =	vadd.s32 v1, v3;
	_ =	sdelay $0x2  }
0x38: {  	[tilespmem:s2], [sflag:$0x1] =	stream.indirect_vreg.gather [hbm4b:s1+s3], $0x80, v4, vm0, $0xb8;
	[tilespmem:$0x1E380] =	vst v63  }
0x39: {  	_ = 	snop  }
0x3a: {  	[tilespmem:s26], [sflag:$0x1] =	stream.indirect_vreg.gather [hbm4b:s1+s3], $0x80, v3, vm0, $0xb8;
	[tilespmem:$0x1E380] =	vst v63  }
0x3b: {  	v3 =	vld [tilespmem:$0x10];
	_ =	sdelay $0x4  }
0x3c: {  	v16 =	vshll.u32 v3, $0x1  }
0x3d: {  	v3 =	vand.u32 $0x7, v3;
	v4 =	vand.u32 $0xFFFFFFF0, v16  }
0x3e: {  	v3 =	vor.u32 v3, v4  }
0x3f: {  	v4 =	vperm.xlane v3, v0;
	_ =	sdelay $0x1  }
0x40: {  	v3 =	vperm.xlane v3, v2;
	v4 =	vadd.s32 v1, v4;
	_ =	sdelay $0x1  }
0x41: {  	v3 =	vadd.s32 v1, v3;
	_ =	sdelay $0x2  }
0x42: {  	[tilespmem:s28], [sflag:$0x1] =	stream.indirect_vreg.gather [hbm4b:s1+s3], $0x80, v4, vm0, $0xb8;
	[tilespmem:$0x1E380] =	vst v63  }
0x43: {  	_ = 	snop  }
0x44: {  	[tilespmem:s29], [sflag:$0x1] =	stream.indirect_vreg.gather [hbm4b:s1+s3], $0x80, v3, vm0, $0xb8;
	[tilespmem:$0x1E380] =	vst v63  }
0x45: {  	v3 =	vld [tilespmem:$0x20];
	_ =	sdelay $0x4  }
0x46: {  	v17 =	vshll.u32 v3, $0x1  }
0x47: {  	v3 =	vand.u32 $0x7, v3;
	v4 =	vand.u32 $0xFFFFFFF0, v17  }
0x48: {  	v3 =	vor.u32 v3, v4  }
0x49: {  	v4 =	vperm.xlane v3, v0;
	_ =	sdelay $0x1  }
0x4a: {  	v3 =	vperm.xlane v3, v2;
	v4 =	vadd.s32 v1, v4;
	_ =	sdelay $0x1  }
0x4b: {  	v3 =	vadd.s32 v1, v3;
	_ =	sdelay $0x2  }
0x4c: {  	[tilespmem:s30], [sflag:$0x1] =	stream.indirect_vreg.gather [hbm4b:s1+s3], $0x80, v4, vm0, $0xb8;
	[tilespmem:$0x1E380] =	vst v63  }
0x4d: {  	_ = 	snop  }
0x4e: {  	[tilespmem:s31], [sflag:$0x1] =	stream.indirect_vreg.gather [hbm4b:s1+s3], $0x80, v3, vm0, $0xb8;
	[tilespmem:$0x1E380] =	vst v63  }
0x4f: {  	v3 =	vld [tilespmem:$0x30];
	_ =	sdelay $0x4  }
0x50: {  	v18 =	vshll.u32 v3, $0x1  }
0x51: {  	v3 =	vand.u32 $0x7, v3;
	v4 =	vand.u32 $0xFFFFFFF0, v18  }
0x52: {  	v3 =	vor.u32 v3, v4  }
0x53: {  	v4 =	vperm.xlane v3, v0;
	_ =	sdelay $0x1  }
0x54: {  	v3 =	vperm.xlane v3, v2;
	v4 =	vadd.s32 v1, v4;
	_ =	sdelay $0x1  }
0x55: {  	v3 =	vadd.s32 v1, v3;
	_ =	sdelay $0x1  }
0x56: {  	s5 =	simm.s32 $0x3380  }
0x57: {  	[tilespmem:s5], [sflag:$0x1] =	stream.indirect_vreg.gather [hbm4b:s1+s3], $0x80, v4, vm0, $0xb8;
	[tilespmem:$0x1E380] =	vst v63  }
0x58: {  	s24 =	simm.s32 $0x3B80  }
0x59: {  	[tilespmem:s24], [sflag:$0x1] =	stream.indirect_vreg.gather [hbm4b:s1+s3], $0x80, v3, vm0, $0xb8;
	[tilespmem:$0x1E380] =	vst v63  }
0x5a: {  	v3 =	vld [tilespmem:$0x40];
	_ =	sdelay $0x4  }
0x5b: {  	v19 =	vshll.u32 v3, $0x1  }
0x5c: {  	v3 =	vand.u32 $0x7, v3;
	v4 =	vand.u32 $0xFFFFFFF0, v19  }
0x5d: {  	v3 =	vor.u32 v3, v4  }
0x5e: {  	v4 =	vperm.xlane v3, v0;
	_ =	sdelay $0x1  }
0x5f: {  	v3 =	vperm.xlane v3, v2;
	v4 =	vadd.s32 v1, v4;
	_ =	sdelay $0x1  }
0x60: {  	v3 =	vadd.s32 v1, v3;
	_ =	sdelay $0x2  }
0x61: {  	[tilespmem:s9], [sflag:$0x1] =	stream.indirect_vreg.gather [hbm4b:s1+s3], $0x80, v4, vm0, $0xb8;
	[tilespmem:$0x1E380] =	vst v63  }
0x62: {  	_ = 	snop  }
0x63: {  	[tilespmem:s10], [sflag:$0x1] =	stream.indirect_vreg.gather [hbm4b:s1+s3], $0x80, v3, vm0, $0xb8;
	[tilespmem:$0x1E380] =	vst v63  }
0x64: {  	v3 =	vld [tilespmem:$0x50];
	_ =	sdelay $0x4  }
0x65: {  	v20 =	vshll.u32 v3, $0x1  }
0x66: {  	v3 =	vand.u32 $0x7, v3;
	v4 =	vand.u32 $0xFFFFFFF0, v20  }
0x67: {  	v3 =	vor.u32 v3, v4  }
0x68: {  	v4 =	vperm.xlane v3, v0;
	_ =	sdelay $0x1  }
0x69: {  	v3 =	vperm.xlane v3, v2;
	v4 =	vadd.s32 v1, v4;
	_ =	sdelay $0x1  }
0x6a: {  	v3 =	vadd.s32 v1, v3;
	_ =	sdelay $0x2  }
0x6b: {  	[tilespmem:s11], [sflag:$0x1] =	stream.indirect_vreg.gather [hbm4b:s1+s3], $0x80, v4, vm0, $0xb8;
	[tilespmem:$0x1E380] =	vst v63  }
0x6c: {  	_ = 	snop  }
0x6d: {  	[tilespmem:s12], [sflag:$0x1] =	stream.indirect_vreg.gather [hbm4b:s1+s3], $0x80, v3, vm0, $0xb8;
	[tilespmem:$0x1E380] =	vst v63  }
0x6e: {  	v3 =	vld [tilespmem:$0x60];
	_ =	sdelay $0x4  }
0x6f: {  	v21 =	vshll.u32 v3, $0x1  }
0x70: {  	v3 =	vand.u32 $0x7, v3;
	v4 =	vand.u32 $0xFFFFFFF0, v21  }
0x71: {  	v3 =	vor.u32 v3, v4  }
0x72: {  	v4 =	vperm.xlane v3, v0;
	_ =	sdelay $0x1  }
0x73: {  	v3 =	vperm.xlane v3, v2;
	v4 =	vadd.s32 v1, v4;
	_ =	sdelay $0x1  }
0x74: {  	v3 =	vadd.s32 v1, v3;
	_ =	sdelay $0x2  }
0x75: {  	[tilespmem:s13], [sflag:$0x1] =	stream.indirect_vreg.gather [hbm4b:s1+s3], $0x80, v4, vm0, $0xb8;
	[tilespmem:$0x1E380] =	vst v63  }
0x76: {  	_ = 	snop  }
0x77: {  	[tilespmem:s15], [sflag:$0x1] =	stream.indirect_vreg.gather [hbm4b:s1+s3], $0x80, v3, vm0, $0xb8;
	[tilespmem:$0x1E380] =	vst v63  }
0x78: {  	v3 =	vld [tilespmem:$0x70];
	_ =	sdelay $0x4  }
0x79: {  	v22 =	vshll.u32 v3, $0x1  }
0x7a: {  	v3 =	vand.u32 $0x7, v3;
	v4 =	vand.u32 $0xFFFFFFF0, v22  }
0x7b: {  	v3 =	vor.u32 v3, v4  }
0x7c: {  	v4 =	vperm.xlane v3, v0;
	_ =	sdelay $0x1  }
0x7d: {  	v3 =	vperm.xlane v3, v2;
	v4 =	vadd.s32 v1, v4;
	_ =	sdelay $0x1  }
0x7e: {  	v3 =	vadd.s32 v1, v3;
	_ =	sdelay $0x2  }
0x7f: {  	[tilespmem:s16], [sflag:$0x1] =	stream.indirect_vreg.gather [hbm4b:s1+s3], $0x80, v4, vm0, $0xb8;
	[tilespmem:$0x1E380] =	vst v63  }
0x80: {  	_ = 	snop  }
0x81: {  	[tilespmem:s17], [sflag:$0x1] =	stream.indirect_vreg.gather [hbm4b:s1+s3], $0x80, v3, vm0, $0xb8;
	[tilespmem:$0x1E380] =	vst v63  }
0x82: {  	v3 =	vld [tilespmem:$0x80];
	_ =	sdelay $0x4  }
0x83: {  	v23 =	vshll.u32 v3, $0x1  }
0x84: {  	v3 =	vand.u32 $0x7, v3;
	v4 =	vand.u32 $0xFFFFFFF0, v23  }
0x85: {  	v3 =	vor.u32 v3, v4  }
0x86: {  	v4 =	vperm.xlane v3, v0;
	_ =	sdelay $0x1  }
0x87: {  	v3 =	vperm.xlane v3, v2;
	v4 =	vadd.s32 v1, v4;
	_ =	sdelay $0x1  }
0x88: {  	v3 =	vadd.s32 v1, v3;
	_ =	sdelay $0x2  }
0x89: {  	[tilespmem:s18], [sflag:$0x1] =	stream.indirect_vreg.gather [hbm4b:s1+s3], $0x80, v4, vm0, $0xb8;
	[tilespmem:$0x1E380] =	vst v63  }
0x8a: {  	_ = 	snop  }
0x8b: {  	[tilespmem:s19], [sflag:$0x1] =	stream.indirect_vreg.gather [hbm4b:s1+s3], $0x80, v3, vm0, $0xb8;
	[tilespmem:$0x1E380] =	vst v63  }
0x8c: {  	v3 =	vld [tilespmem:$0x90];
	_ =	sdelay $0x4  }
0x8d: {  	v24 =	vshll.u32 v3, $0x1  }
0x8e: {  	v3 =	vand.u32 $0x7, v3;
	v4 =	vand.u32 $0xFFFFFFF0, v24  }
0x8f: {  	v3 =	vor.u32 v3, v4  }
0x90: {  	v4 =	vperm.xlane v3, v0;
	_ =	sdelay $0x1  }
0x91: {  	v3 =	vperm.xlane v3, v2;
	v4 =	vadd.s32 v1, v4;
	_ =	sdelay $0x1  }
0x92: {  	v3 =	vadd.s32 v1, v3;
	_ =	sdelay $0x2  }
0x93: {  	[tilespmem:s20], [sflag:$0x1] =	stream.indirect_vreg.gather [hbm4b:s1+s3], $0x80, v4, vm0, $0xb8;
	[tilespmem:$0x1E380] =	vst v63  }
0x94: {  	_ = 	snop  }
0x95: {  	[tilespmem:s21], [sflag:$0x1] =	stream.indirect_vreg.gather [hbm4b:s1+s3], $0x80, v3, vm0, $0xb8;
	[tilespmem:$0x1E380] =	vst v63  }
0x96: {  	v3 =	vld [tilespmem:$0xA0];
	_ =	sdelay $0x4  }
0x97: {  	v25 =	vshll.u32 v3, $0x1  }
0x98: {  	v3 =	vand.u32 $0x7, v3;
	v4 =	vand.u32 $0xFFFFFFF0, v25  }
0x99: {  	v3 =	vor.u32 v3, v4  }
0x9a: {  	v4 =	vperm.xlane v3, v0;
	_ =	sdelay $0x1  }
0x9b: {  	v3 =	vperm.xlane v3, v2;
	v4 =	vadd.s32 v1, v4;
	_ =	sdelay $0x1  }
0x9c: {  	v3 =	vadd.s32 v1, v3;
	_ =	sdelay $0x2  }
0x9d: {  	[tilespmem:s14], [sflag:$0x1] =	stream.indirect_vreg.gather [hbm4b:s1+s3], $0x80, v4, vm0, $0xb8;
	[tilespmem:$0x1E380] =	vst v63  }
0x9e: {  	s5 =	simm.s32 $0xAB80  }
0x9f: {  	[tilespmem:s5], [sflag:$0x1] =	stream.indirect_vreg.gather [hbm4b:s1+s3], $0x80, v3, vm0, $0xb8;
	[tilespmem:$0x1E380] =	vst v63  }
0xa0: {  	v3 =	vld [tilespmem:$0xB0];
	_ =	sdelay $0x4  }
0xa1: {  	v26 =	vshll.u32 v3, $0x1  }
0xa2: {  	v3 =	vand.u32 $0x7, v3;
	v4 =	vand.u32 $0xFFFFFFF0, v26  }
0xa3: {  	v3 =	vor.u32 v3, v4  }
0xa4: {  	v4 =	vperm.xlane v3, v0;
	_ =	sdelay $0x1  }
0xa5: {  	v3 =	vperm.xlane v3, v2;
	v4 =	vadd.s32 v1, v4;
	_ =	sdelay $0x1  }
0xa6: {  	v3 =	vadd.s32 v1, v3;
	_ =	sdelay $0x2  }
0xa7: {  	[tilespmem:s6], [sflag:$0x1] =	stream.indirect_vreg.gather [hbm4b:s1+s3], $0x80, v4, vm0, $0xb8;
	[tilespmem:$0x1E380] =	vst v63  }
0xa8: {  	_ = 	snop  }
0xa9: {  	[tilespmem:s8], [sflag:$0x1] =	stream.indirect_vreg.gather [hbm4b:s1+s3], $0x80, v3, vm0, $0xb8;
	[tilespmem:$0x1E380] =	vst v63  }
0xaa: {  	v3 =	vld [tilespmem:$0xC0];
	_ =	sdelay $0x4  }
0xab: {  	v27 =	vshll.u32 v3, $0x1  }
0xac: {  	v3 =	vand.u32 $0x7, v3;
	v4 =	vand.u32 $0xFFFFFFF0, v27  }
0xad: {  	v3 =	vor.u32 v3, v4  }
0xae: {  	v4 =	vperm.xlane v3, v0;
	_ =	sdelay $0x1  }
0xaf: {  	v3 =	vperm.xlane v3, v2;
	v4 =	vadd.s32 v1, v4;
	_ =	sdelay $0x1  }
0xb0: {  	v3 =	vadd.s32 v1, v3;
	_ =	sdelay $0x1  }
0xb1: {  	s25 =	simm.s32 $0xC380  }
0xb2: {  	[tilespmem:s25], [sflag:$0x1] =	stream.indirect_vreg.gather [hbm4b:s1+s3], $0x80, v4, vm0, $0xb8;
	[tilespmem:$0x1E380] =	vst v63  }
0xb3: {  	s24 =	simm.s32 $0xCB80  }
0xb4: {  	[tilespmem:s24], [sflag:$0x1] =	stream.indirect_vreg.gather [hbm4b:s1+s3], $0x80, v3, vm0, $0xb8;
	[tilespmem:$0x1E380] =	vst v63  }
0xb5: {  	v3 =	vld [tilespmem:$0xD0];
	_ =	sdelay $0x4  }
0xb6: {  	v28 =	vshll.u32 v3, $0x1  }
0xb7: {  	v3 =	vand.u32 $0x7, v3;
	v4 =	vand.u32 $0xFFFFFFF0, v28  }
0xb8: {  	v3 =	vor.u32 v3, v4  }
0xb9: {  	v4 =	vperm.xlane v3, v0;
	_ =	sdelay $0x1  }
0xba: {  	v3 =	vperm.xlane v3, v2;
	v4 =	vadd.s32 v1, v4;
	_ =	sdelay $0x1  }
0xbb: {  	v3 =	vadd.s32 v1, v3;
	_ =	sdelay $0x1  }
0xbc: {  	s25 =	simm.s32 $0xD380  }
0xbd: {  	[tilespmem:s25], [sflag:$0x1] =	stream.indirect_vreg.gather [hbm4b:s1+s3], $0x80, v4, vm0, $0xb8;
	[tilespmem:$0x1E380] =	vst v63  }
0xbe: {  	s24 =	simm.s32 $0xDB80  }
0xbf: {  	[tilespmem:s24], [sflag:$0x1] =	stream.indirect_vreg.gather [hbm4b:s1+s3], $0x80, v3, vm0, $0xb8;
	[tilespmem:$0x1E380] =	vst v63  }
0xc0: {  	v3 =	vld [tilespmem:$0xE0];
	_ =	sdelay $0x4  }
0xc1: {  	v29 =	vshll.u32 v3, $0x1  }
0xc2: {  	v3 =	vand.u32 $0x7, v3;
	v4 =	vand.u32 $0xFFFFFFF0, v29  }
0xc3: {  	v3 =	vor.u32 v3, v4  }
0xc4: {  	v4 =	vperm.xlane v3, v0;
	_ =	sdelay $0x1  }
0xc5: {  	v3 =	vperm.xlane v3, v2;
	v4 =	vadd.s32 v1, v4;
	_ =	sdelay $0x1  }
0xc6: {  	v3 =	vadd.s32 v1, v3;
	_ =	sdelay $0x1  }
0xc7: {  	s25 =	simm.s32 $0xE380  }
0xc8: {  	[tilespmem:s25], [sflag:$0x1] =	stream.indirect_vreg.gather [hbm4b:s1+s3], $0x80, v4, vm0, $0xb8;
	[tilespmem:$0x1E380] =	vst v63  }
0xc9: {  	s24 =	simm.s32 $0xEB80  }
0xca: {  	[tilespmem:s24], [sflag:$0x1] =	stream.indirect_vreg.gather [hbm4b:s1+s3], $0x80, v3, vm0, $0xb8;
	[tilespmem:$0x1E380] =	vst v63  }
0xcb: {  	v3 =	vld [tilespmem:$0xF0];
	_ =	sdelay $0x4  }
0xcc: {  	v30 =	vshll.u32 v3, $0x1  }
0xcd: {  	v3 =	vand.u32 $0x7, v3;
	v4 =	vand.u32 $0xFFFFFFF0, v30  }
0xce: {  	v3 =	vor.u32 v3, v4  }
0xcf: {  	v4 =	vperm.xlane v3, v0;
	_ =	sdelay $0x1  }
0xd0: {  	v3 =	vperm.xlane v3, v2;
	v4 =	vadd.s32 v1, v4;
	_ =	sdelay $0x1  }
0xd1: {  	v3 =	vadd.s32 v1, v3;
	_ =	sdelay $0x1  }
0xd2: {  	s0 =	simm.s32 $0xF380  }
0xd3: {  	[tilespmem:s0], [sflag:$0x2] =	stream.indirect_vreg.gather [hbm4b:s1+s3], $0x80, v4, vm0, $0xb8;
	[tilespmem:$0x1E380] =	vst v63  }
0xd4: {  	s25 =	simm.s32 $0xFB80  }
0xd5: {  	[tilespmem:s25], [sflag:$0x2] =	stream.indirect_vreg.gather [hbm4b:s1+s3], $0x80, v3, vm0, $0xb8;
	[tilespmem:$0x1E380] =	vst v63  }
0xd6: {  	v3 =	vld [tilespmem:$0x100];
	_ =	sdelay $0x4  }
0xd7: {  	v31 =	vshll.u32 v3, $0x1  }
0xd8: {  	v3 =	vand.u32 $0x7, v3;
	v4 =	vand.u32 $0xFFFFFFF0, v31  }
0xd9: {  	v3 =	vor.u32 v3, v4  }
0xda: {  	v4 =	vperm.xlane v3, v0;
	_ =	sdelay $0x1  }
0xdb: {  	v3 =	vperm.xlane v3, v2;
	v4 =	vadd.s32 v1, v4;
	_ =	sdelay $0x1  }
0xdc: {  	v3 =	vadd.s32 v1, v3;
	_ =	sdelay $0x1  }
0xdd: {  	s25 =	simm.s32 $0x10380  }
0xde: {  	[tilespmem:s25], [sflag:$0x2] =	stream.indirect_vreg.gather [hbm4b:s1+s3], $0x80, v4, vm0, $0xb8;
	[tilespmem:$0x1E380] =	vst v63  }
0xdf: {  	s25 =	simm.s32 $0x10B80  }
0xe0: {  	[tilespmem:s25], [sflag:$0x2] =	stream.indirect_vreg.gather [hbm4b:s1+s3], $0x80, v3, vm0, $0xb8;
	[tilespmem:$0x1E380] =	vst v63  }
0xe1: {  	v3 =	vld [tilespmem:$0x110];
	_ =	sdelay $0x4  }
0xe2: {  	v32 =	vshll.u32 v3, $0x1  }
0xe3: {  	v3 =	vand.u32 $0x7, v3;
	v4 =	vand.u32 $0xFFFFFFF0, v32  }
0xe4: {  	v3 =	vor.u32 v3, v4  }
0xe5: {  	v4 =	vperm.xlane v3, v0;
	_ =	sdelay $0x1  }
0xe6: {  	v3 =	vperm.xlane v3, v2;
	v4 =	vadd.s32 v1, v4;
	_ =	sdelay $0x1  }
0xe7: {  	v3 =	vadd.s32 v1, v3;
	_ =	sdelay $0x1  }
0xe8: {  	s25 =	simm.s32 $0x11380  }
0xe9: {  	[tilespmem:s25], [sflag:$0x2] =	stream.indirect_vreg.gather [hbm4b:s1+s3], $0x80, v4, vm0, $0xb8;
	[tilespmem:$0x1E380] =	vst v63  }
0xea: {  	s25 =	simm.s32 $0x11B80  }
0xeb: {  	[tilespmem:s25], [sflag:$0x2] =	stream.indirect_vreg.gather [hbm4b:s1+s3], $0x80, v3, vm0, $0xb8;
	[tilespmem:$0x1E380] =	vst v63  }
0xec: {  	v3 =	vld [tilespmem:$0x120];
	_ =	sdelay $0x4  }
0xed: {  	v33 =	vshll.u32 v3, $0x1  }
0xee: {  	v3 =	vand.u32 $0x7, v3;
	v4 =	vand.u32 $0xFFFFFFF0, v33  }
0xef: {  	v3 =	vor.u32 v3, v4  }
0xf0: {  	v4 =	vperm.xlane v3, v0;
	_ =	sdelay $0x1  }
0xf1: {  	v3 =	vperm.xlane v3, v2;
	v4 =	vadd.s32 v1, v4;
	_ =	sdelay $0x1  }
0xf2: {  	v3 =	vadd.s32 v1, v3;
	_ =	sdelay $0x1  }
0xf3: {  	s25 =	simm.s32 $0x12380  }
0xf4: {  	[tilespmem:s25], [sflag:$0x2] =	stream.indirect_vreg.gather [hbm4b:s1+s3], $0x80, v4, vm0, $0xb8;
	[tilespmem:$0x1E380] =	vst v63  }
0xf5: {  	s25 =	simm.s32 $0x12B80  }
0xf6: {  	[tilespmem:s25], [sflag:$0x2] =	stream.indirect_vreg.gather [hbm4b:s1+s3], $0x80, v3, vm0, $0xb8;
	[tilespmem:$0x1E380] =	vst v63  }
0xf7: {  	v3 =	vld [tilespmem:$0x130];
	_ =	sdelay $0x4  }
0xf8: {  	v34 =	vshll.u32 v3, $0x1  }
0xf9: {  	v3 =	vand.u32 $0x7, v3;
	v4 =	vand.u32 $0xFFFFFFF0, v34  }
0xfa: {  	v3 =	vor.u32 v3, v4  }
0xfb: {  	v4 =	vperm.xlane v3, v0;
	_ =	sdelay $0x1  }
0xfc: {  	v3 =	vperm.xlane v3, v2;
	v4 =	vadd.s32 v1, v4;
	_ =	sdelay $0x1  }
0xfd: {  	v3 =	vadd.s32 v1, v3;
	_ =	sdelay $0x1  }
0xfe: {  	s24 =	rddreg [dreg:$0x6]  }
0xff: {  	[tilespmem:s24], [sflag:$0x2] =	stream.indirect_vreg.gather [hbm4b:s1+s3], $0x80, v4, vm0, $0xb8;
	[tilespmem:$0x1E380] =	vst v63  }
0x100: {  	s25 =	rddreg [dreg:$0x7]  }
0x101: {  	[tilespmem:s25], [sflag:$0x2] =	stream.indirect_vreg.gather [hbm4b:s1+s3], $0x80, v3, vm0, $0xb8;
	[tilespmem:$0x1E380] =	vst v63  }
0x102: {  	v3 =	vld [tilespmem:$0x140];
	_ =	sdelay $0x4  }
0x103: {  	v35 =	vshll.u32 v3, $0x1  }
0x104: {  	v3 =	vand.u32 $0x7, v3;
	v4 =	vand.u32 $0xFFFFFFF0, v35  }
0x105: {  	v3 =	vor.u32 v3, v4  }
0x106: {  	v4 =	vperm.xlane v3, v0;
	_ =	sdelay $0x1  }
0x107: {  	v3 =	vperm.xlane v3, v2;
	v4 =	vadd.s32 v1, v4;
	_ =	sdelay $0x1  }
0x108: {  	v3 =	vadd.s32 v1, v3;
	_ =	sdelay $0x1  }
0x109: {  	s24 =	rddreg [dreg:$0x8]  }
0x10a: {  	[tilespmem:s24], [sflag:$0x2] =	stream.indirect_vreg.gather [hbm4b:s1+s3], $0x80, v4, vm0, $0xb8;
	[tilespmem:$0x1E380] =	vst v63  }
0x10b: {  	s25 =	rddreg [dreg:$0x9]  }
0x10c: {  	[tilespmem:s25], [sflag:$0x2] =	stream.indirect_vreg.gather [hbm4b:s1+s3], $0x80, v3, vm0, $0xb8;
	[tilespmem:$0x1E380] =	vst v63  }
0x10d: {  	v3 =	vld [tilespmem:$0x150];
	_ =	sdelay $0x4  }
0x10e: {  	v36 =	vshll.u32 v3, $0x1  }
0x10f: {  	v3 =	vand.u32 $0x7, v3;
	v4 =	vand.u32 $0xFFFFFFF0, v36  }
0x110: {  	v3 =	vor.u32 v3, v4  }
0x111: {  	v4 =	vperm.xlane v3, v0;
	_ =	sdelay $0x1  }
0x112: {  	v3 =	vperm.xlane v3, v2;
	v4 =	vadd.s32 v1, v4;
	_ =	sdelay $0x1  }
0x113: {  	v3 =	vadd.s32 v1, v3;
	_ =	sdelay $0x1  }
0x114: {  	s24 =	rddreg [dreg:$0xa]  }
0x115: {  	[tilespmem:s24], [sflag:$0x2] =	stream.indirect_vreg.gather [hbm4b:s1+s3], $0x80, v4, vm0, $0xb8;
	[tilespmem:$0x1E380] =	vst v63  }
0x116: {  	s25 =	rddreg [dreg:$0xb]  }
0x117: {  	[tilespmem:s25], [sflag:$0x2] =	stream.indirect_vreg.gather [hbm4b:s1+s3], $0x80, v3, vm0, $0xb8;
	[tilespmem:$0x1E380] =	vst v63  }
0x118: {  	v3 =	vld [tilespmem:$0x160];
	_ =	sdelay $0x4  }
0x119: {  	v37 =	vshll.u32 v3, $0x1  }
0x11a: {  	v3 =	vand.u32 $0x7, v3;
	v4 =	vand.u32 $0xFFFFFFF0, v37  }
0x11b: {  	v3 =	vor.u32 v3, v4  }
0x11c: {  	v4 =	vperm.xlane v3, v0;
	_ =	sdelay $0x1  }
0x11d: {  	v3 =	vperm.xlane v3, v2;
	v4 =	vadd.s32 v1, v4;
	_ =	sdelay $0x1  }
0x11e: {  	v3 =	vadd.s32 v1, v3;
	_ =	sdelay $0x1  }
0x11f: {  	s24 =	rddreg [dreg:$0xc]  }
0x120: {  	[tilespmem:s24], [sflag:$0x2] =	stream.indirect_vreg.gather [hbm4b:s1+s3], $0x80, v4, vm0, $0xb8;
	[tilespmem:$0x1E380] =	vst v63  }
0x121: {  	s25 =	rddreg [dreg:$0xd]  }
0x122: {  	[tilespmem:s25], [sflag:$0x2] =	stream.indirect_vreg.gather [hbm4b:s1+s3], $0x80, v3, vm0, $0xb8;
	[tilespmem:$0x1E380] =	vst v63  }
0x123: {  	v3 =	vld [tilespmem:$0x170];
	_ =	sdelay $0x4  }
0x124: {  	v38 =	vshll.u32 v3, $0x1  }
0x125: {  	v3 =	vand.u32 $0x7, v3;
	v4 =	vand.u32 $0xFFFFFFF0, v38  }
0x126: {  	v3 =	vor.u32 v3, v4  }
0x127: {  	v4 =	vperm.xlane v3, v0;
	_ =	sdelay $0x1  }
0x128: {  	v3 =	vperm.xlane v3, v2;
	v4 =	vadd.s32 v1, v4;
	_ =	sdelay $0x1  }
0x129: {  	v3 =	vadd.s32 v1, v3;
	_ =	sdelay $0x1  }
0x12a: {  	s24 =	rddreg [dreg:$0xe]  }
0x12b: {  	[tilespmem:s24], [sflag:$0x2] =	stream.indirect_vreg.gather [hbm4b:s1+s3], $0x80, v4, vm0, $0xb8;
	[tilespmem:$0x1E380] =	vst v63  }
0x12c: {  	s25 =	rddreg [dreg:$0xf]  }
0x12d: {  	[tilespmem:s25], [sflag:$0x2] =	stream.indirect_vreg.gather [hbm4b:s1+s3], $0x80, v3, vm0, $0xb8;
	[tilespmem:$0x1E380] =	vst v63  }
0x12e: {  	v3 =	vld [tilespmem:$0x180];
	_ =	sdelay $0x4  }
0x12f: {  	v39 =	vshll.u32 v3, $0x1  }
0x130: {  	v3 =	vand.u32 $0x7, v3;
	v4 =	vand.u32 $0xFFFFFFF0, v39  }
0x131: {  	v3 =	vor.u32 v3, v4  }
0x132: {  	v4 =	vperm.xlane v3, v0;
	_ =	sdelay $0x1  }
0x133: {  	v3 =	vperm.xlane v3, v2;
	v4 =	vadd.s32 v1, v4;
	_ =	sdelay $0x1  }
0x134: {  	v3 =	vadd.s32 v1, v3;
	_ =	sdelay $0x1  }
0x135: {  	s24 =	rddreg [dreg:$0x10]  }
0x136: {  	[tilespmem:s24], [sflag:$0x2] =	stream.indirect_vreg.gather [hbm4b:s1+s3], $0x80, v4, vm0, $0xb8;
	[tilespmem:$0x1E380] =	vst v63  }
0x137: {  	s25 =	rddreg [dreg:$0x11]  }
0x138: {  	[tilespmem:s25], [sflag:$0x2] =	stream.indirect_vreg.gather [hbm4b:s1+s3], $0x80, v3, vm0, $0xb8;
	[tilespmem:$0x1E380] =	vst v63  }
0x139: {  	v3 =	vld [tilespmem:$0x190];
	_ =	sdelay $0x4  }
0x13a: {  	v40 =	vshll.u32 v3, $0x1  }
0x13b: {  	v3 =	vand.u32 $0x7, v3;
	v4 =	vand.u32 $0xFFFFFFF0, v40  }
0x13c: {  	v3 =	vor.u32 v3, v4  }
0x13d: {  	v4 =	vperm.xlane v3, v0;
	_ =	sdelay $0x1  }
0x13e: {  	v3 =	vperm.xlane v3, v2;
	v4 =	vadd.s32 v1, v4;
	_ =	sdelay $0x1  }
0x13f: {  	v3 =	vadd.s32 v1, v3;
	_ =	sdelay $0x1  }
0x140: {  	s24 =	rddreg [dreg:$0x12]  }
0x141: {  	[tilespmem:s24], [sflag:$0x2] =	stream.indirect_vreg.gather [hbm4b:s1+s3], $0x80, v4, vm0, $0xb8;
	[tilespmem:$0x1E380] =	vst v63  }
0x142: {  	s25 =	rddreg [dreg:$0x13]  }
0x143: {  	[tilespmem:s25], [sflag:$0x2] =	stream.indirect_vreg.gather [hbm4b:s1+s3], $0x80, v3, vm0, $0xb8;
	[tilespmem:$0x1E380] =	vst v63  }
0x144: {  	v3 =	vld [tilespmem:$0x1A0];
	_ =	sdelay $0x4  }
0x145: {  	v41 =	vshll.u32 v3, $0x1  }
0x146: {  	v3 =	vand.u32 $0x7, v3;
	v4 =	vand.u32 $0xFFFFFFF0, v41  }
0x147: {  	v3 =	vor.u32 v3, v4  }
0x148: {  	v4 =	vperm.xlane v3, v0;
	_ =	sdelay $0x1  }
0x149: {  	v3 =	vperm.xlane v3, v2;
	v4 =	vadd.s32 v1, v4;
	_ =	sdelay $0x1  }
0x14a: {  	v3 =	vadd.s32 v1, v3;
	_ =	sdelay $0x1  }
0x14b: {  	s24 =	rddreg [dreg:$0x14]  }
0x14c: {  	[tilespmem:s24], [sflag:$0x2] =	stream.indirect_vreg.gather [hbm4b:s1+s3], $0x80, v4, vm0, $0xb8;
	[tilespmem:$0x1E380] =	vst v63  }
0x14d: {  	s25 =	rddreg [dreg:$0x15]  }
0x14e: {  	[tilespmem:s25], [sflag:$0x2] =	stream.indirect_vreg.gather [hbm4b:s1+s3], $0x80, v3, vm0, $0xb8;
	[tilespmem:$0x1E380] =	vst v63  }
0x14f: {  	v3 =	vld [tilespmem:$0x1B0];
	_ =	sdelay $0x4  }
0x150: {  	v42 =	vshll.u32 v3, $0x1  }
0x151: {  	v3 =	vand.u32 $0x7, v3;
	v4 =	vand.u32 $0xFFFFFFF0, v42  }
0x152: {  	v3 =	vor.u32 v3, v4  }
0x153: {  	v4 =	vperm.xlane v3, v0;
	_ =	sdelay $0x1  }
0x154: {  	v3 =	vperm.xlane v3, v2;
	v4 =	vadd.s32 v1, v4;
	_ =	sdelay $0x1  }
0x155: {  	v3 =	vadd.s32 v1, v3;
	_ =	sdelay $0x1  }
0x156: {  	s24 =	rddreg [dreg:$0x16]  }
0x157: {  	[tilespmem:s24], [sflag:$0x2] =	stream.indirect_vreg.gather [hbm4b:s1+s3], $0x80, v4, vm0, $0xb8;
	[tilespmem:$0x1E380] =	vst v63  }
0x158: {  	s25 =	rddreg [dreg:$0x17]  }
0x159: {  	[tilespmem:s25], [sflag:$0x2] =	stream.indirect_vreg.gather [hbm4b:s1+s3], $0x80, v3, vm0, $0xb8;
	[tilespmem:$0x1E380] =	vst v63  }
0x15a: {  	v3 =	vld [tilespmem:$0x1C0];
	_ =	sdelay $0x4  }
0x15b: {  	v43 =	vshll.u32 v3, $0x1  }
0x15c: {  	v3 =	vand.u32 $0x7, v3;
	v4 =	vand.u32 $0xFFFFFFF0, v43  }
0x15d: {  	v3 =	vor.u32 v3, v4  }
0x15e: {  	v4 =	vperm.xlane v3, v0;
	_ =	sdelay $0x1  }
0x15f: {  	v3 =	vperm.xlane v3, v2;
	v4 =	vadd.s32 v1, v4;
	_ =	sdelay $0x1  }
0x160: {  	v3 =	vadd.s32 v1, v3;
	_ =	sdelay $0x1  }
0x161: {  	s24 =	rddreg [dreg:$0x18]  }
0x162: {  	[tilespmem:s24], [sflag:$0x2] =	stream.indirect_vreg.gather [hbm4b:s1+s3], $0x80, v4, vm0, $0xb8;
	[tilespmem:$0x1E380] =	vst v63  }
0x163: {  	s25 =	rddreg [dreg:$0x19]  }
0x164: {  	[tilespmem:s25], [sflag:$0x2] =	stream.indirect_vreg.gather [hbm4b:s1+s3], $0x80, v3, vm0, $0xb8;
	[tilespmem:$0x1E380] =	vst v63  }
0x165: {  	v3 =	vld [tilespmem:$0x1D0];
	_ =	sdelay $0x4  }
0x166: {  	v44 =	vshll.u32 v3, $0x1  }
0x167: {  	v3 =	vand.u32 $0x7, v3;
	v4 =	vand.u32 $0xFFFFFFF0, v44  }
0x168: {  	v3 =	vor.u32 v3, v4  }
0x169: {  	v4 =	vperm.xlane v3, v0;
	_ =	sdelay $0x1  }
0x16a: {  	v3 =	vperm.xlane v3, v2;
	v4 =	vadd.s32 v1, v4;
	_ =	sdelay $0x1  }
0x16b: {  	v3 =	vadd.s32 v1, v3;
	_ =	sdelay $0x1  }
0x16c: {  	s24 =	rddreg [dreg:$0x1a]  }
0x16d: {  	[tilespmem:s24], [sflag:$0x2] =	stream.indirect_vreg.gather [hbm4b:s1+s3], $0x80, v4, vm0, $0xb8;
	[tilespmem:$0x1E380] =	vst v63  }
0x16e: {  	s25 =	rddreg [dreg:$0x1b]  }
0x16f: {  	[tilespmem:s25], [sflag:$0x2] =	stream.indirect_vreg.gather [hbm4b:s1+s3], $0x80, v3, vm0, $0xb8;
	[tilespmem:$0x1E380] =	vst v63  }
0x170: {  	_ =	swait.ge [sflag:s22], $0xF000  }
0x171: {  	[sflag:s22] =	ssyncset.done $0x0  }
0x172: {  	s25 =	rddreg [dreg:$0x1c];
	[sflag:s22] =	ssyncadd.s32 $0xFFFF1000  }
0x173: {  	[hbm4b:s25+s3] =	stream.linear.scatter [tilespmem:s2], [sflag:$0x3], $0xF000, $0x38;
	[tilespmem:$0x1E380] =	vst v63  }
0x174: {  	_ =	swait.ge [sflag:s23], $0xF000  }
0x175: {  	[sflag:s23] =	ssyncset.done $0x0  }
0x176: {  	[sflag:s23] =	ssyncadd.s32 $0xFFFF1000  }
0x177: {  	v3 =	vld [tilespmem:$0x1E0];
	_ =	sdelay $0x4  }
0x178: {  	v45 =	vshll.u32 v3, $0x1  }
0x179: {  	v3 =	vand.u32 $0x7, v3;
	v4 =	vand.u32 $0xFFFFFFF0, v45  }
0x17a: {  	v3 =	vor.u32 v3, v4  }
0x17b: {  	v4 =	vperm.xlane v3, v0;
	_ =	sdelay $0x1  }
0x17c: {  	v3 =	vperm.xlane v3, v2;
	v4 =	vadd.s32 v1, v4;
	_ =	sdelay $0x1  }
0x17d: {  	v3 =	vadd.s32 v1, v3;
	_ =	sdelay $0x2  }
0x17e: {  	[tilespmem:s2], [sflag:$0x1] =	stream.indirect_vreg.gather [hbm4b:s1+s3], $0x80, v4, vm0, $0xb8;
	[tilespmem:$0x1E380] =	vst v63  }
0x17f: {  	_ = 	snop  }
0x180: {  	[tilespmem:s26], [sflag:$0x1] =	stream.indirect_vreg.gather [hbm4b:s1+s3], $0x80, v3, vm0, $0xb8;
	[tilespmem:$0x1E380] =	vst v63  }
0x181: {  	v3 =	vld [tilespmem:$0x1F0];
	_ =	sdelay $0x4  }
0x182: {  	v46 =	vshll.u32 v3, $0x1  }
0x183: {  	v3 =	vand.u32 $0x7, v3;
	v4 =	vand.u32 $0xFFFFFFF0, v46  }
0x184: {  	v3 =	vor.u32 v3, v4  }
0x185: {  	v4 =	vperm.xlane v3, v0;
	_ =	sdelay $0x1  }
0x186: {  	v3 =	vperm.xlane v3, v2;
	v4 =	vadd.s32 v1, v4;
	_ =	sdelay $0x1  }
0x187: {  	v3 =	vadd.s32 v1, v3;
	_ =	sdelay $0x2  }
0x188: {  	[tilespmem:s28], [sflag:$0x1] =	stream.indirect_vreg.gather [hbm4b:s1+s3], $0x80, v4, vm0, $0xb8;
	[tilespmem:$0x1E380] =	vst v63  }
0x189: {  	_ = 	snop  }
0x18a: {  	[tilespmem:s29], [sflag:$0x1] =	stream.indirect_vreg.gather [hbm4b:s1+s3], $0x80, v3, vm0, $0xb8;
	[tilespmem:$0x1E380] =	vst v63  }
0x18b: {  	v3 =	vld [tilespmem:$0x200];
	_ =	sdelay $0x4  }
0x18c: {  	v47 =	vshll.u32 v3, $0x1  }
0x18d: {  	v3 =	vand.u32 $0x7, v3;
	v4 =	vand.u32 $0xFFFFFFF0, v47  }
0x18e: {  	v3 =	vor.u32 v3, v4  }
0x18f: {  	v4 =	vperm.xlane v3, v0;
	_ =	sdelay $0x1  }
0x190: {  	v3 =	vperm.xlane v3, v2;
	v4 =	vadd.s32 v1, v4;
	_ =	sdelay $0x1  }
0x191: {  	v3 =	vadd.s32 v1, v3;
	_ =	sdelay $0x2  }
0x192: {  	[tilespmem:s30], [sflag:$0x1] =	stream.indirect_vreg.gather [hbm4b:s1+s3], $0x80, v4, vm0, $0xb8;
	[tilespmem:$0x1E380] =	vst v63  }
0x193: {  	_ = 	snop  }
0x194: {  	[tilespmem:s31], [sflag:$0x1] =	stream.indirect_vreg.gather [hbm4b:s1+s3], $0x80, v3, vm0, $0xb8;
	[tilespmem:$0x1E380] =	vst v63  }
0x195: {  	v3 =	vld [tilespmem:$0x210];
	_ =	sdelay $0x4  }
0x196: {  	v48 =	vshll.u32 v3, $0x1  }
0x197: {  	v3 =	vand.u32 $0x7, v3;
	v4 =	vand.u32 $0xFFFFFFF0, v48  }
0x198: {  	v3 =	vor.u32 v3, v4  }
0x199: {  	v4 =	vperm.xlane v3, v0;
	_ =	sdelay $0x1  }
0x19a: {  	v3 =	vperm.xlane v3, v2;
	v4 =	vadd.s32 v1, v4;
	_ =	sdelay $0x1  }
0x19b: {  	v3 =	vadd.s32 v1, v3;
	_ =	sdelay $0x1  }
0x19c: {  	s25 =	simm.s32 $0x3380  }
0x19d: {  	[tilespmem:s25], [sflag:$0x1] =	stream.indirect_vreg.gather [hbm4b:s1+s3], $0x80, v4, vm0, $0xb8;
	[tilespmem:$0x1E380] =	vst v63  }
0x19e: {  	s25 =	simm.s32 $0x3B80  }
0x19f: {  	[tilespmem:s25], [sflag:$0x1] =	stream.indirect_vreg.gather [hbm4b:s1+s3], $0x80, v3, vm0, $0xb8;
	[tilespmem:$0x1E380] =	vst v63  }
0x1a0: {  	v3 =	vld [tilespmem:$0x220];
	_ =	sdelay $0x4  }
0x1a1: {  	v49 =	vshll.u32 v3, $0x1  }
0x1a2: {  	v3 =	vand.u32 $0x7, v3;
	v4 =	vand.u32 $0xFFFFFFF0, v49  }
0x1a3: {  	v3 =	vor.u32 v3, v4  }
0x1a4: {  	v4 =	vperm.xlane v3, v0;
	_ =	sdelay $0x1  }
0x1a5: {  	v3 =	vperm.xlane v3, v2;
	v4 =	vadd.s32 v1, v4;
	_ =	sdelay $0x1  }
0x1a6: {  	v3 =	vadd.s32 v1, v3;
	_ =	sdelay $0x2  }
0x1a7: {  	[tilespmem:s9], [sflag:$0x1] =	stream.indirect_vreg.gather [hbm4b:s1+s3], $0x80, v4, vm0, $0xb8;
	[tilespmem:$0x1E380] =	vst v63  }
0x1a8: {  	_ = 	snop  }
0x1a9: {  	[tilespmem:s10], [sflag:$0x1] =	stream.indirect_vreg.gather [hbm4b:s1+s3], $0x80, v3, vm0, $0xb8;
	[tilespmem:$0x1E380] =	vst v63  }
0x1aa: {  	v3 =	vld [tilespmem:$0x230];
	_ =	sdelay $0x4  }
0x1ab: {  	v50 =	vshll.u32 v3, $0x1  }
0x1ac: {  	v3 =	vand.u32 $0x7, v3;
	v4 =	vand.u32 $0xFFFFFFF0, v50  }
0x1ad: {  	v3 =	vor.u32 v3, v4  }
0x1ae: {  	v4 =	vperm.xlane v3, v0;
	_ =	sdelay $0x1  }
0x1af: {  	v3 =	vperm.xlane v3, v2;
	v4 =	vadd.s32 v1, v4;
	_ =	sdelay $0x1  }
0x1b0: {  	v3 =	vadd.s32 v1, v3;
	_ =	sdelay $0x2  }
0x1b1: {  	[tilespmem:s11], [sflag:$0x1] =	stream.indirect_vreg.gather [hbm4b:s1+s3], $0x80, v4, vm0, $0xb8;
	[tilespmem:$0x1E380] =	vst v63  }
0x1b2: {  	_ = 	snop  }
0x1b3: {  	[tilespmem:s12], [sflag:$0x1] =	stream.indirect_vreg.gather [hbm4b:s1+s3], $0x80, v3, vm0, $0xb8;
	[tilespmem:$0x1E380] =	vst v63  }
0x1b4: {  	v3 =	vld [tilespmem:$0x240];
	_ =	sdelay $0x4  }
0x1b5: {  	v51 =	vshll.u32 v3, $0x1  }
0x1b6: {  	v3 =	vand.u32 $0x7, v3;
	v4 =	vand.u32 $0xFFFFFFF0, v51  }
0x1b7: {  	v3 =	vor.u32 v3, v4  }
0x1b8: {  	v4 =	vperm.xlane v3, v0;
	_ =	sdelay $0x1  }
0x1b9: {  	v3 =	vperm.xlane v3, v2;
	v4 =	vadd.s32 v1, v4;
	_ =	sdelay $0x1  }
0x1ba: {  	v3 =	vadd.s32 v1, v3;
	_ =	sdelay $0x2  }
0x1bb: {  	[tilespmem:s13], [sflag:$0x1] =	stream.indirect_vreg.gather [hbm4b:s1+s3], $0x80, v4, vm0, $0xb8;
	[tilespmem:$0x1E380] =	vst v63  }
0x1bc: {  	_ = 	snop  }
0x1bd: {  	[tilespmem:s15], [sflag:$0x1] =	stream.indirect_vreg.gather [hbm4b:s1+s3], $0x80, v3, vm0, $0xb8;
	[tilespmem:$0x1E380] =	vst v63  }
0x1be: {  	v3 =	vld [tilespmem:$0x250];
	_ =	sdelay $0x4  }
0x1bf: {  	v52 =	vshll.u32 v3, $0x1  }
0x1c0: {  	v3 =	vand.u32 $0x7, v3;
	v4 =	vand.u32 $0xFFFFFFF0, v52  }
0x1c1: {  	v3 =	vor.u32 v3, v4  }
0x1c2: {  	v4 =	vperm.xlane v3, v0;
	_ =	sdelay $0x1  }
0x1c3: {  	v3 =	vperm.xlane v3, v2;
	v4 =	vadd.s32 v1, v4;
	_ =	sdelay $0x1  }
0x1c4: {  	v3 =	vadd.s32 v1, v3;
	_ =	sdelay $0x2  }
0x1c5: {  	[tilespmem:s16], [sflag:$0x1] =	stream.indirect_vreg.gather [hbm4b:s1+s3], $0x80, v4, vm0, $0xb8;
	[tilespmem:$0x1E380] =	vst v63  }
0x1c6: {  	_ = 	snop  }
0x1c7: {  	[tilespmem:s17], [sflag:$0x1] =	stream.indirect_vreg.gather [hbm4b:s1+s3], $0x80, v3, vm0, $0xb8;
	[tilespmem:$0x1E380] =	vst v63  }
0x1c8: {  	v3 =	vld [tilespmem:$0x260];
	_ =	sdelay $0x4  }
0x1c9: {  	v53 =	vshll.u32 v3, $0x1  }
0x1ca: {  	v3 =	vand.u32 $0x7, v3;
	v4 =	vand.u32 $0xFFFFFFF0, v53  }
0x1cb: {  	v3 =	vor.u32 v3, v4  }
0x1cc: {  	v4 =	vperm.xlane v3, v0;
	_ =	sdelay $0x1  }
0x1cd: {  	v3 =	vperm.xlane v3, v2;
	v4 =	vadd.s32 v1, v4;
	_ =	sdelay $0x1  }
0x1ce: {  	v3 =	vadd.s32 v1, v3;
	_ =	sdelay $0x2  }
0x1cf: {  	[tilespmem:s18], [sflag:$0x1] =	stream.indirect_vreg.gather [hbm4b:s1+s3], $0x80, v4, vm0, $0xb8;
	[tilespmem:$0x1E380] =	vst v63  }
0x1d0: {  	_ = 	snop  }
0x1d1: {  	[tilespmem:s19], [sflag:$0x1] =	stream.indirect_vreg.gather [hbm4b:s1+s3], $0x80, v3, vm0, $0xb8;
	[tilespmem:$0x1E380] =	vst v63  }
0x1d2: {  	v3 =	vld [tilespmem:$0x270];
	_ =	sdelay $0x4  }
0x1d3: {  	v54 =	vshll.u32 v3, $0x1  }
0x1d4: {  	v3 =	vand.u32 $0x7, v3;
	v4 =	vand.u32 $0xFFFFFFF0, v54  }
0x1d5: {  	v3 =	vor.u32 v3, v4  }
0x1d6: {  	v4 =	vperm.xlane v3, v0;
	_ =	sdelay $0x1  }
0x1d7: {  	v3 =	vperm.xlane v3, v2;
	v4 =	vadd.s32 v1, v4;
	_ =	sdelay $0x1  }
0x1d8: {  	v3 =	vadd.s32 v1, v3;
	_ =	sdelay $0x2  }
0x1d9: {  	[tilespmem:s20], [sflag:$0x1] =	stream.indirect_vreg.gather [hbm4b:s1+s3], $0x80, v4, vm0, $0xb8;
	[tilespmem:$0x1E380] =	vst v63  }
0x1da: {  	_ = 	snop  }
0x1db: {  	[tilespmem:s21], [sflag:$0x1] =	stream.indirect_vreg.gather [hbm4b:s1+s3], $0x80, v3, vm0, $0xb8;
	[tilespmem:$0x1E380] =	vst v63  }
0x1dc: {  	v3 =	vld [tilespmem:$0x280];
	_ =	sdelay $0x4  }
0x1dd: {  	v55 =	vshll.u32 v3, $0x1  }
0x1de: {  	v3 =	vand.u32 $0x7, v3;
	v4 =	vand.u32 $0xFFFFFFF0, v55  }
0x1df: {  	v3 =	vor.u32 v3, v4  }
0x1e0: {  	v4 =	vperm.xlane v3, v0;
	_ =	sdelay $0x1  }
0x1e1: {  	v3 =	vperm.xlane v3, v2;
	v4 =	vadd.s32 v1, v4;
	_ =	sdelay $0x1  }
0x1e2: {  	v3 =	vadd.s32 v1, v3;
	_ =	sdelay $0x2  }
0x1e3: {  	[tilespmem:s14], [sflag:$0x1] =	stream.indirect_vreg.gather [hbm4b:s1+s3], $0x80, v4, vm0, $0xb8;
	[tilespmem:$0x1E380] =	vst v63  }
0x1e4: {  	_ = 	snop  }
0x1e5: {  	[tilespmem:s5], [sflag:$0x1] =	stream.indirect_vreg.gather [hbm4b:s1+s3], $0x80, v3, vm0, $0xb8;
	[tilespmem:$0x1E380] =	vst v63  }
0x1e6: {  	v3 =	vld [tilespmem:$0x290];
	_ =	sdelay $0x4  }
0x1e7: {  	v56 =	vshll.u32 v3, $0x1  }
0x1e8: {  	v3 =	vand.u32 $0x7, v3;
	v4 =	vand.u32 $0xFFFFFFF0, v56  }
0x1e9: {  	v3 =	vor.u32 v3, v4  }
0x1ea: {  	v4 =	vperm.xlane v3, v0;
	_ =	sdelay $0x1  }
0x1eb: {  	v3 =	vperm.xlane v3, v2;
	v4 =	vadd.s32 v1, v4;
	_ =	sdelay $0x1  }
0x1ec: {  	v3 =	vadd.s32 v1, v3;
	_ =	sdelay $0x2  }
0x1ed: {  	[tilespmem:s6], [sflag:$0x1] =	stream.indirect_vreg.gather [hbm4b:s1+s3], $0x80, v4, vm0, $0xb8;
	[tilespmem:$0x1E380] =	vst v63  }
0x1ee: {  	_ = 	snop  }
0x1ef: {  	[tilespmem:s8], [sflag:$0x1] =	stream.indirect_vreg.gather [hbm4b:s1+s3], $0x80, v3, vm0, $0xb8;
	[tilespmem:$0x1E380] =	vst v63  }
0x1f0: {  	v3 =	vld [tilespmem:$0x2A0];
	_ =	sdelay $0x4  }
0x1f1: {  	v57 =	vshll.u32 v3, $0x1  }
0x1f2: {  	v3 =	vand.u32 $0x7, v3;
	v4 =	vand.u32 $0xFFFFFFF0, v57  }
0x1f3: {  	v3 =	vor.u32 v3, v4  }
0x1f4: {  	v4 =	vperm.xlane v3, v0;
	_ =	sdelay $0x1  }
0x1f5: {  	v3 =	vperm.xlane v3, v2;
	v4 =	vadd.s32 v1, v4;
	_ =	sdelay $0x1  }
0x1f6: {  	v3 =	vadd.s32 v1, v3;
	_ =	sdelay $0x1  }
0x1f7: {  	s24 =	simm.s32 $0xC380  }
0x1f8: {  	[tilespmem:s24], [sflag:$0x1] =	stream.indirect_vreg.gather [hbm4b:s1+s3], $0x80, v4, vm0, $0xb8;
	[tilespmem:$0x1E380] =	vst v63  }
0x1f9: {  	s25 =	simm.s32 $0xCB80  }
0x1fa: {  	[tilespmem:s25], [sflag:$0x1] =	stream.indirect_vreg.gather [hbm4b:s1+s3], $0x80, v3, vm0, $0xb8;
	[tilespmem:$0x1E380] =	vst v63  }
0x1fb: {  	v3 =	vld [tilespmem:$0x2B0];
	_ =	sdelay $0x4  }
0x1fc: {  	v58 =	vshll.u32 v3, $0x1  }
0x1fd: {  	v3 =	vand.u32 $0x7, v3;
	v4 =	vand.u32 $0xFFFFFFF0, v58  }
0x1fe: {  	v3 =	vor.u32 v3, v4  }
0x1ff: {  	v4 =	vperm.xlane v3, v0;
	_ =	sdelay $0x1  }
0x200: {  	v3 =	vperm.xlane v3, v2;
	v4 =	vadd.s32 v1, v4;
	_ =	sdelay $0x1  }
0x201: {  	v3 =	vadd.s32 v1, v3;
	_ =	sdelay $0x1  }
0x202: {  	s24 =	simm.s32 $0xD380  }
0x203: {  	[tilespmem:s24], [sflag:$0x1] =	stream.indirect_vreg.gather [hbm4b:s1+s3], $0x80, v4, vm0, $0xb8;
	[tilespmem:$0x1E380] =	vst v63  }
0x204: {  	s25 =	simm.s32 $0xDB80  }
0x205: {  	[tilespmem:s25], [sflag:$0x1] =	stream.indirect_vreg.gather [hbm4b:s1+s3], $0x80, v3, vm0, $0xb8;
	[tilespmem:$0x1E380] =	vst v63  }
0x206: {  	v3 =	vld [tilespmem:$0x2C0];
	_ =	sdelay $0x4  }
0x207: {  	v59 =	vshll.u32 v3, $0x1  }
0x208: {  	v3 =	vand.u32 $0x7, v3;
	v4 =	vand.u32 $0xFFFFFFF0, v59  }
0x209: {  	v3 =	vor.u32 v3, v4  }
0x20a: {  	v4 =	vperm.xlane v3, v0;
	_ =	sdelay $0x1  }
0x20b: {  	v3 =	vperm.xlane v3, v2;
	v4 =	vadd.s32 v1, v4;
	_ =	sdelay $0x1  }
0x20c: {  	v3 =	vadd.s32 v1, v3;
	_ =	sdelay $0x1  }
0x20d: {  	s24 =	simm.s32 $0xE380  }
0x20e: {  	[tilespmem:s24], [sflag:$0x1] =	stream.indirect_vreg.gather [hbm4b:s1+s3], $0x80, v4, vm0, $0xb8;
	[tilespmem:$0x1E380] =	vst v63  }
0x20f: {  	s25 =	simm.s32 $0xEB80  }
0x210: {  	[tilespmem:s25], [sflag:$0x1] =	stream.indirect_vreg.gather [hbm4b:s1+s3], $0x80, v3, vm0, $0xb8;
	[tilespmem:$0x1E380] =	vst v63  }
0x211: {  	_ =	swait.ge [sflag:s4], $0xF000  }
0x212: {  	[sflag:s4] =	ssyncset.done $0x0  }
0x213: {  	s5 =	rddreg [dreg:$0x4];
	[sflag:s4] =	ssyncadd.s32 $0xFFFF1000  }
0x214: {  	[hbm4b:s5+s3] =	stream.linear.scatter [tilespmem:s0], [sflag:$0x3], $0xF000, $0x38;
	[tilespmem:$0x1E380] =	vst v63  }
0x215: {  	_ =	swait.ge [sflag:s23], $0xF000  }
0x216: {  	[sflag:s23] =	ssyncset.done $0x0  }
0x217: {  	[sflag:s23] =	ssyncadd.s32 $0xFFFF1000  }
0x218: {  	v3 =	vld [tilespmem:$0x2D0];
	_ =	sdelay $0x4  }
0x219: {  	v60 =	vshll.u32 v3, $0x1  }
0x21a: {  	v3 =	vand.u32 $0x7, v3;
	v4 =	vand.u32 $0xFFFFFFF0, v60  }
0x21b: {  	v3 =	vor.u32 v3, v4  }
0x21c: {  	v4 =	vperm.xlane v3, v0;
	_ =	sdelay $0x1  }
0x21d: {  	v3 =	vperm.xlane v3, v2;
	v4 =	vadd.s32 v1, v4;
	_ =	sdelay $0x1  }
0x21e: {  	v3 =	vadd.s32 v1, v3;
	_ =	sdelay $0x2  }
0x21f: {  	[tilespmem:s0], [sflag:$0x2] =	stream.indirect_vreg.gather [hbm4b:s1+s3], $0x80, v4, vm0, $0xb8;
	[tilespmem:$0x1E380] =	vst v63  }
0x220: {  	s24 =	simm.s32 $0xFB80  }
0x221: {  	[tilespmem:s24], [sflag:$0x2] =	stream.indirect_vreg.gather [hbm4b:s1+s3], $0x80, v3, vm0, $0xb8;
	[tilespmem:$0x1E380] =	vst v63  }
0x222: {  	v3 =	vld [tilespmem:$0x2E0];
	_ =	sdelay $0x4  }
0x223: {  	v61 =	vshll.u32 v3, $0x1  }
0x224: {  	v3 =	vand.u32 $0x7, v3;
	v4 =	vand.u32 $0xFFFFFFF0, v61  }
0x225: {  	v3 =	vor.u32 v3, v4  }
0x226: {  	v4 =	vperm.xlane v3, v0;
	_ =	sdelay $0x1  }
0x227: {  	v3 =	vperm.xlane v3, v2;
	v4 =	vadd.s32 v1, v4;
	_ =	sdelay $0x1  }
0x228: {  	v3 =	vadd.s32 v1, v3;
	_ =	sdelay $0x1  }
0x229: {  	s25 =	simm.s32 $0x10380  }
0x22a: {  	[tilespmem:s25], [sflag:$0x2] =	stream.indirect_vreg.gather [hbm4b:s1+s3], $0x80, v4, vm0, $0xb8;
	[tilespmem:$0x1E380] =	vst v63  }
0x22b: {  	s5 =	simm.s32 $0x10B80  }
0x22c: {  	[tilespmem:s5], [sflag:$0x2] =	stream.indirect_vreg.gather [hbm4b:s1+s3], $0x80, v3, vm0, $0xb8;
	[tilespmem:$0x1E380] =	vst v63  }
0x22d: {  	v3 =	vld [tilespmem:$0x2F0];
	_ =	sdelay $0x4  }
0x22e: {  	v62 =	vshll.u32 v3, $0x1  }
0x22f: {  	v3 =	vand.u32 $0x7, v3;
	v4 =	vand.u32 $0xFFFFFFF0, v62  }
0x230: {  	v3 =	vor.u32 v3, v4  }
0x231: {  	v4 =	vperm.xlane v3, v0;
	_ =	sdelay $0x1  }
0x232: {  	v3 =	vperm.xlane v3, v2;
	v4 =	vadd.s32 v1, v4;
	_ =	sdelay $0x1  }
0x233: {  	v3 =	vadd.s32 v1, v3;
	_ =	sdelay $0x1  }
0x234: {  	s24 =	simm.s32 $0x11380  }
0x235: {  	[tilespmem:s24], [sflag:$0x2] =	stream.indirect_vreg.gather [hbm4b:s1+s3], $0x80, v4, vm0, $0xb8;
	[tilespmem:$0x1E380] =	vst v63  }
0x236: {  	s25 =	simm.s32 $0x11B80  }
0x237: {  	[tilespmem:s25], [sflag:$0x2] =	stream.indirect_vreg.gather [hbm4b:s1+s3], $0x80, v3, vm0, $0xb8;
	[tilespmem:$0x1E380] =	vst v63  }
0x238: {  	v3 =	vld [tilespmem:$0x300];
	_ =	sdelay $0x4  }
0x239: {  	v63 =	vshll.u32 v3, $0x1  }
0x23a: {  	v3 =	vand.u32 $0x7, v3;
	v4 =	vand.u32 $0xFFFFFFF0, v63  }
0x23b: {  	v3 =	vor.u32 v3, v4  }
0x23c: {  	v4 =	vperm.xlane v3, v0;
	_ =	sdelay $0x1  }
0x23d: {  	v3 =	vperm.xlane v3, v2;
	v4 =	vadd.s32 v1, v4;
	_ =	sdelay $0x1  }
0x23e: {  	v3 =	vadd.s32 v1, v3;
	_ =	sdelay $0x1  }
0x23f: {  	s5 =	simm.s32 $0x12380  }
0x240: {  	[tilespmem:s5], [sflag:$0x2] =	stream.indirect_vreg.gather [hbm4b:s1+s3], $0x80, v4, vm0, $0xb8;
	[tilespmem:$0x1E380] =	vst v63  }
0x241: {  	s24 =	simm.s32 $0x12B80  }
0x242: {  	[tilespmem:s24], [sflag:$0x2] =	stream.indirect_vreg.gather [hbm4b:s1+s3], $0x80, v3, vm0, $0xb8;
	[tilespmem:$0x1E380] =	vst v63  }
0x243: {  	_ =	swait.ge [sflag:s22], $0xF000  }
0x244: {  	[sflag:s22] =	ssyncset.done $0x0  }
0x245: {  	s25 =	rddreg [dreg:$0x5];
	[sflag:s22] =	ssyncadd.s32 $0xFFFF1000  }
0x246: {  	[hbm4b:s25+s3] =	stream.linear.scatter [tilespmem:s2], [sflag:$0x3], $0xF000, $0x38;
	[tilespmem:$0x1E380] =	vst v63  }
0x247: {  	_ =	swait.ge [sflag:s23], $0xF000  }
0x248: {  	[sflag:s23] =	ssyncset.done $0x0  }
0x249: {  	[sflag:s23] =	ssyncadd.s32 $0xFFFF1000  }
0x24a: {  	_ =	swait.ge [sflag:s4], $0x4000  }
0x24b: {  	s24 =	simm.s32 @p1 $0x0;
	[sflag:s4] =	ssyncset.done $0x0  }
0x24c: {  	s25 =	simm.s32 @p1 $0xF380;
	s0 =	rddreg [dreg:$0x1e];
	[sflag:s4] =	ssyncadd.s32 $0xFFFFC000  }
0x24d: {  	[hbm4b:s0+s24] =	stream.linear.scatter @p1 [tilespmem:s25], [sflag:$0x3], $0x3800, $0x38;
	[tilespmem:$0x1E380] =	vst v63  }
0x24e: {  	s24 =	simm.s32 @p1 $0x3  }
0x24f: {  	s7 =	sadd.s32 $0xFFFFFFFF, s7;
	_ =	swait.ge @p1 [sflag:s24], $0x3800  }
0x250: {  	p2 =	sne.s32 s7, $0x0;
	[sflag:s24] =	ssyncset.done @p1 $0x0  }
0x251: {  	s25 =	simm.s32 @!p1 $0xF380;
	[sflag:s24] =	ssyncadd.s32 @p1 $0xFFFFC800;
	s24 =	simm.s32 @!p1 $0x0  }
0x252: {  	[hbm4b:s0+s24] =	stream.linear.scatter @!p1 [tilespmem:s25], [sflag:$0x3], $0x4000, $0x38;
	[tilespmem:$0x1E380] =	vst v63  }
.Ltmp0:
0x253: {  	_ = 	snop;
	(pc) =	sbr.rel @p2 .LBB2_1-.Ltmp0, $4  }
0x254: {  	s24 =	simm.s32 @!p1 $0x3  }
0x255: {  	_ =	swait.ge @!p1 [sflag:s24], $0x4000  }
0x256: {  	[sflag:s24] =	ssyncset.done @!p1 $0x0  }
0x257: {  	[sflag:s24] =	ssyncadd.s32 @!p1 $0xFFFFC000  }
0x258: {  	_ =	sfence.sel $0x180000  }
0x259: {  	[bflag:$0x0] =	sbarrier.arrive $0xFFFF  }
0x25a: {  	_ =	strace $0x90000047  }
0x25b: {  	s0 =	stileid.u32;
	[bflag:$0x2] =	sbarrier.arrive $0xFFFF  }
0x25c: {  	p0 =	sne.s32 s0, $0x0;
	s0 =	rddreg [dreg:$0x3]  }
0x25d: {  	s0 =	sadd.s32 @!p0 $0x100000, s0  }
0x25e: {  	[sflag:s0] =	ssyncadd.tile.s32 @!p0 $0x1;
	_ =	shalt  }
.Lfunc_end2:
_tile_overlayer_lowered:
.L_overlay_start_2:
0x25f: {  	(tag) =	ssettag $0x2  }
0x260: {  	s0 =	rddreg [dreg:$0x0];
	s2 =	stileid.u32  }
0x261: {  	s1 =	rddreg [dreg:$0x1];
	p0 =	sne.s32 s2, $0x0  }
0x262: {  	s3 =	rddreg [dreg:$0x2];
	[bflag:$0x3] =	sbarrier.arrive $0xFFFF;
	s2 =	simm.s32 @!p0 $0x1C03  }
0x263: {  	[timem:s3], [sflag:s2] =	dma.local @!p0 [hbm:s0], s1  }
0x264: {  	s0 =	simm.s32 @!p0 $0x3  }
0x265: {  	_ =	swait.ge @!p0 [sflag:s0], s1  }
0x266: {  	s1 =	ssub.s32 @!p0 $0x0, s1;
	[sflag:s0] =	ssyncset.done @!p0 $0x0  }
0x267: {  	[sflag:s0] =	ssyncadd.s32 @!p0 s1  }
0x268: {  	[bflag:$0x3] =	sbarrier.arrive $0xFFFF  }
0x269: {  	_ =	shalt  }

</sc_bundles>
